<compile_context>
chip_gen: v7x
topology: tpu7x:2x2x1
jax: 0.10.2.dev20260603
libtpu: 0.0.44.dev20260713+nightly
codegen_flags: <defaults>
</compile_context>

<pallas_src>
import functools

import jax
import jax.numpy as jnp
import numpy as np
from jax import lax
from jax.experimental import pallas as pl
from jax.experimental.pallas import tpu as pltpu
from jax.experimental.pallas import tpu_sc as plsc

B = 4096
D = 64
HIST = 50
K = 2
PK = 2 * D

_NC = 2
_NS = 16
_NW = _NC * _NS
_HPW = B * HIST // _NW
_CH = 128
_NCH = _HPW // _CH
_SPW = B // _NW


def _sc_gather_item_body(hist_idx, item_idx, emb_item,
                         out_hist, out_item,
                         idx_v, rows_v, sidx_v, srows_v, sem):
    wid = lax.axis_index("s") * _NC + lax.axis_index("c")
    hbase = wid * _HPW

    def chunk(j, carry):
        pltpu.sync_copy(hist_idx.at[pl.ds(hbase + j * _CH, _CH)], idx_v)
        pltpu.async_copy(emb_item.at[idx_v], rows_v, sem).wait()
        pltpu.sync_copy(rows_v, out_hist.at[pl.ds(hbase + j * _CH, _CH)])
        return carry

    lax.fori_loop(0, _NCH, chunk, 0)

    sbase = wid * _SPW
    pltpu.sync_copy(item_idx.at[pl.ds(sbase, _SPW)], sidx_v)
    pltpu.async_copy(emb_item.at[sidx_v], srows_v, sem).wait()
    pltpu.sync_copy(srows_v, out_item.at[pl.ds(sbase, _SPW)])


def _sc_gather_user_body(user_idx, emb_user, out_user, sidx_v, srows_v, sem):
    wid = lax.axis_index("s") * _NC + lax.axis_index("c")
    sbase = wid * _SPW
    pltpu.sync_copy(user_idx.at[pl.ds(sbase, _SPW)], sidx_v)
    pltpu.async_copy(emb_user.at[sidx_v], srows_v, sem).wait()
    pltpu.sync_copy(srows_v, out_user.at[pl.ds(sbase, _SPW)])


@functools.lru_cache(maxsize=1)
def _make_sc_gathers():
    gi = pl.kernel(
        _sc_gather_item_body,
        out_type=[
            jax.ShapeDtypeStruct((B * HIST, PK), jnp.float32),
            jax.ShapeDtypeStruct((B, PK), jnp.float32),
        ],
        mesh=plsc.VectorSubcoreMesh(core_axis_name="c", subcore_axis_name="s"),
        scratch_types=[
            pltpu.VMEM((_CH,), jnp.int32),
            pltpu.VMEM((_CH, PK), jnp.float32),
            pltpu.VMEM((_SPW,), jnp.int32),
            pltpu.VMEM((_SPW, PK), jnp.float32),
            pltpu.SemaphoreType.DMA,
        ],
    )
    gu = pl.kernel(
        _sc_gather_user_body,
        out_type=[jax.ShapeDtypeStruct((B, PK), jnp.float32)],
        mesh=plsc.VectorSubcoreMesh(core_axis_name="c", subcore_axis_name="s"),
        scratch_types=[
            pltpu.VMEM((_SPW,), jnp.int32),
            pltpu.VMEM((_SPW, PK), jnp.float32),
            pltpu.SemaphoreType.DMA,
        ],
    )
    return gi, gu


_VOCAB = 1000000
_SPLIT = 499968
_CVB = 7936
_CVG = 64
_PR = _CVG * _CVB


def _convert_body(xA, xB, out):
    eye = (lax.broadcasted_iota(jnp.int32, (D, D), 0)
           == lax.broadcasted_iota(jnp.int32, (D, D), 1)).astype(jnp.float32)
    tA = lax.dot_general(xA[...], eye, (((0,), (0,)), ((), ())),
                         preferred_element_type=jnp.float32)
    tB = lax.dot_general(xB[...], eye, (((0,), (0,)), ((), ())),
                         preferred_element_type=jnp.float32)
    out[...] = jnp.concatenate([tA, tB], axis=1)


_convert = pl.pallas_call(
    _convert_body,
    grid=(_CVG,),
    in_specs=[pl.BlockSpec((D, _CVB), lambda i: (0, i)),
              pl.BlockSpec((D, _CVB), lambda i: (0, i + 63))],
    out_specs=pl.BlockSpec((_CVB, PK), lambda i: (i, 0)),
    out_shape=jax.ShapeDtypeStruct((_PR, PK), jnp.float32),
    compiler_params=pltpu.CompilerParams(
        vmem_limit_bytes=64 * 2**20, fuse_transposed_lhs_in_matmul=True),
)


def _half_select(packed, ids):
    par = (ids[...] >= _SPLIT).astype(jnp.float32)
    left = packed[:, 0:D]
    right = packed[:, D:PK]
    return left + (right - left) * par


def _item_dnn_body(rows, ids, iW1, ib1, iW2, ib2, out):
    x = _half_select(rows[...], ids)
    h = jnp.maximum(
        jnp.dot(x, iW1[...], preferred_element_type=jnp.float32)
        + ib1[...], 0.0)
    out[...] = jnp.maximum(
        jnp.dot(h, iW2[...], preferred_element_type=jnp.float32)
        + ib2[...], 0.0)


_item_dnn = pl.pallas_call(
    _item_dnn_body,
    out_shape=jax.ShapeDtypeStruct((B, 32), jnp.float32),
)


_BB = 128


def _squash(x):
    s = jnp.sum(jnp.square(x), axis=-1, keepdims=True)
    return (s / (1.0 + s)) * x / jnp.sqrt(s + 1e-9)


def _main_body(hist, hist_ids, user, user_ids, gender_i, len_i, item_all,
               item_blk, embG, embL, Wcap, r2, uW1, ub1, uW2, ub2, out):
    hist64 = _half_select(hist[...], hist_ids)
    u2 = jnp.dot(hist64, Wcap[...], preferred_element_type=jnp.float32)
    u_hat = u2.reshape(_BB, HIST, D)
    seq = jnp.maximum(len_i[...].astype(jnp.float32), 1.0)
    mask = (lax.broadcasted_iota(jnp.int32, (_BB, HIST), 1).astype(jnp.float32)
            < seq).astype(jnp.float32)
    b0 = jnp.broadcast_to(r2[0:1, :], (_BB, HIST))
    b1 = jnp.broadcast_to(r2[1:2, :], (_BB, HIST))
    cap0 = cap1 = None
    for i in range(3):
        mx = jnp.maximum(b0, b1)
        e0 = jnp.exp(b0 - mx)
        e1 = jnp.exp(b1 - mx)
        den = e0 + e1
        w0 = e0 / den * mask
        w1 = e1 / den * mask
        Z0 = jnp.sum(w0[:, :, None] * u_hat, axis=1)
        Z1 = jnp.sum(w1[:, :, None] * u_hat, axis=1)
        cap0 = _squash(Z0)
        cap1 = _squash(Z1)
        if i < 2:
            b0 = b0 + jnp.sum(cap0[:, None, :] * u_hat, axis=2)
            b1 = b1 + jnp.sum(cap1[:, None, :] * u_hat, axis=2)
    user64 = _half_select(user[...], user_ids)
    gf = gender_i[...].astype(jnp.float32)
    gemb = embG[0:1, :] + (embG[1:2, :] - embG[0:1, :]) * gf
    lf = len_i[...]
    oh = (lax.broadcasted_iota(jnp.int32, (_BB, HIST + 1), 1)
          == lf).astype(jnp.float32)
    lemb = jnp.dot(oh, embL[...], preferred_element_type=jnp.float32)
    us = jnp.concatenate([user64, gemb, lemb], axis=1)
    ud0 = jnp.concatenate([us, cap0], axis=1)
    ud1 = jnp.concatenate([us, cap1], axis=1)
    h0 = jnp.maximum(jnp.dot(ud0, uW1[...], preferred_element_type=jnp.float32) + ub1[...], 0.0)
    h1 = jnp.maximum(jnp.dot(ud1, uW1[...], preferred_element_type=jnp.float32) + ub1[...], 0.0)
    o0 = jnp.maximum(jnp.dot(h0, uW2[...], preferred_element_type=jnp.float32) + ub2[...], 0.0)
    o1 = jnp.maximum(jnp.dot(h1, uW2[...], preferred_element_type=jnp.float32) + ub2[...], 0.0)
    it = item_blk[...]
    wt0 = jnp.sum(o0 * it, axis=1, keepdims=True)
    wt1 = jnp.sum(o1 * it, axis=1, keepdims=True)
    mw = jnp.maximum(wt0, wt1)
    a0 = jnp.exp(wt0 - mw)
    a1 = jnp.exp(wt1 - mw)
    uf = (o0 * a0 + o1 * a1) / (a0 + a1)
    logits = lax.dot_general(uf, item_all[...],
                             (((1,), (1,)), ((), ())),
                             preferred_element_type=jnp.float32)
    rowmax = jnp.max(logits, axis=1, keepdims=True)
    lse = jnp.log(jnp.sum(jnp.exp(logits - rowmax), axis=1,
                          keepdims=True)) + rowmax
    diag = jnp.sum(uf * it, axis=1, keepdims=True)
    out[...] = lse - diag


_main = pl.pallas_call(
    _main_body,
    grid=(B // _BB,),
    in_specs=[
        pl.BlockSpec((_BB * HIST, PK), lambda i: (i, 0)),
        pl.BlockSpec((_BB * HIST, 1), lambda i: (i, 0)),
        pl.BlockSpec((_BB, PK), lambda i: (i, 0)),
        pl.BlockSpec((_BB, 1), lambda i: (i, 0)),
        pl.BlockSpec((_BB, 1), lambda i: (i, 0)),
        pl.BlockSpec((_BB, 1), lambda i: (i, 0)),
        pl.BlockSpec((B, 32), lambda i: (0, 0)),
        pl.BlockSpec((_BB, 32), lambda i: (i, 0)),
        pl.BlockSpec((2, D), lambda i: (0, 0)),
        pl.BlockSpec((HIST + 1, D), lambda i: (0, 0)),
        pl.BlockSpec((D, D), lambda i: (0, 0)),
        pl.BlockSpec((K, HIST), lambda i: (0, 0)),
        pl.BlockSpec((4 * D, D), lambda i: (0, 0)),
        pl.BlockSpec((1, D), lambda i: (0, 0)),
        pl.BlockSpec((D, 32), lambda i: (0, 0)),
        pl.BlockSpec((1, 32), lambda i: (0, 0)),
    ],
    out_specs=pl.BlockSpec((_BB, 1), lambda i: (i, 0)),
    out_shape=jax.ShapeDtypeStruct((B, 1), jnp.float32),
    compiler_params=pltpu.CompilerParams(vmem_limit_bytes=64 * 2**20),
)


def kernel(user_id, gender, hist_len, item_id, hist_item_ids, labels,
           emb_user_id, emb_gender, emb_hist_len, emb_item_id,
           W_cap, routing_logits, uW1, ub1, uW2, ub2, iW1, ib1, iW2, ib2):
    emb_userT = emb_user_id.T
    emb_itemT = emb_item_id.T

    def _pidx(ids):
        return jnp.where(ids < _SPLIT, ids, ids - _SPLIT)

    gi, gu = _make_sc_gathers()
    emb_item128 = _convert(emb_itemT, emb_itemT)
    out_hist, out_item = gi(
        _pidx(hist_item_ids.reshape(B * HIST)), _pidx(item_id.reshape(B)),
        emb_item128)
    emb_user128 = _convert(emb_userT, emb_userT)
    (out_user,) = gu(_pidx(user_id.reshape(B)), emb_user128)
    item_dnn = _item_dnn(out_item, item_id, iW1, ib1.reshape(1, D),
                         iW2, ib2.reshape(1, 32))
    loss = _main(out_hist, hist_item_ids.reshape(B * HIST, 1),
                 out_user, user_id, gender, hist_len,
                 item_dnn, item_dnn, emb_gender, emb_hist_len,
                 W_cap, routing_logits.reshape(K, HIST),
                 uW1, ub1.reshape(1, D), uW2, ub2.reshape(1, 32))
    return loss

# --- scband reference (transcript-rebuilt; emitter-appended) ---
"""Pipeline reference for scband-mind-80272938762902 (READ-ONLY COPY).

The authoritative reference and input builder live on the scoring server;
editing this copy changes nothing except your own understanding.
"""

import jax, jax.numpy as jnp
import numpy as np

B = 4096
VOCAB = 1000000
D = 64
HIST = 50
K_MAX = 2
POW_P = 1.0


def squash(x):
    s = jnp.sum(jnp.square(x), axis=-1, keepdims=True)
    return (s / (1.0 + s)) * x / jnp.sqrt(s + 1e-9)


def setup_inputs(seed: int = 0):
    key = jax.random.key(seed)
    ks = jax.random.split(key, 24)
    f = jnp.float32
    inp = {
        "user_id": jax.random.randint(ks[0], (B, 1), 0, VOCAB, dtype=jnp.int32),
        "gender": jax.random.randint(ks[1], (B, 1), 0, 2, dtype=jnp.int32),
        "hist_len": jax.random.randint(ks[2], (B, 1), 0, HIST, dtype=jnp.int32),
        "item_id": jax.random.randint(ks[3], (B, 1), 0, VOCAB, dtype=jnp.int32),
        "hist_item_ids": jax.random.randint(ks[4], (B, HIST), 0, VOCAB, dtype=jnp.int32),
        "labels": jax.random.randint(ks[5], (B, 1), 0, VOCAB, dtype=jnp.int32),
        "emb_user_id": jax.random.uniform(ks[6], (VOCAB, D), f, -0.05, 0.05),
        "emb_gender": jax.random.uniform(ks[7], (2, D), f, -0.05, 0.05),
        "emb_hist_len": jax.random.uniform(ks[8], (HIST + 1, D), f, -0.05, 0.05),
        "emb_item_id": jax.random.uniform(ks[9], (VOCAB, D), f, -0.05, 0.05),
        "W_cap": jax.random.normal(ks[10], (D, D), f) * 0.1,
        "routing_logits": jax.random.normal(ks[11], (1, K_MAX, HIST), f),
        "uW1": jax.random.normal(ks[12], (3 * D + D, 64), f) * 0.05,
        "ub1": jnp.zeros((64,), f),
        "uW2": jax.random.normal(ks[13], (64, 32), f) * 0.05,
        "ub2": jnp.zeros((32,), f),
        "iW1": jax.random.normal(ks[14], (D, 64), f) * 0.05,
        "ib1": jnp.zeros((64,), f),
        "iW2": jax.random.normal(ks[15], (64, 32), f) * 0.05,
        "ib2": jnp.zeros((32,), f),
    }
    return inp


def reference(user_id, gender, hist_len, item_id, hist_item_ids, labels,
              emb_user_id, emb_gender, emb_hist_len, emb_item_id,
              W_cap, routing_logits, uW1, ub1, uW2, ub2, iW1, ib1, iW2, ib2):
    Bv = user_id.shape[0]
    # user sparse embeddings (concat over fields) -> [B, 1, 3D]
    user_sparse = jnp.concatenate([
        jnp.take(emb_user_id, user_id[:, 0], axis=0),
        jnp.take(emb_gender, gender[:, 0], axis=0),
        jnp.take(emb_hist_len, hist_len[:, 0], axis=0)], axis=-1)[:, None, :]
    # item embedding -> [B, 1, D]; PoolingLayer(mean) over a single-element list is identity
    item_pool = jnp.take(emb_item_id, item_id[:, 0], axis=0)[:, None, :]
    # history item embeddings -> [B, HIST, D]
    hist_emb = jnp.take(emb_item_id, hist_item_ids, axis=0)
    # capsule layer with dynamic routing (MIND multi-interest extractor)
    seq_len = jnp.maximum(hist_len[:, 0], 1)
    mask = (jnp.arange(HIST)[None, :] < seq_len[:, None]).astype(jnp.float32)
    u_hat = jnp.einsum('bmd,de->bme', hist_emb, W_cap)
    u_hat_sg = jax.lax.stop_gradient(u_hat)
    b = jnp.tile(routing_logits, (Bv, 1, 1))  # [B, K, HIST]
    cap = None
    for i in range(3):
        w = jax.nn.softmax(b, axis=1) * mask[:, None, :]
        uh = u_hat if i == 2 else u_hat_sg
        Z = jnp.einsum('bkm,bmd->bkd', w, uh)
        cap = squash(Z)
        if i < 2:
            b = b + jnp.einsum('bkd,bmd->bkm', cap, u_hat_sg)
    # tile user features across interest capsules and run user DNN
    user_tiled = jnp.tile(user_sparse, (1, K_MAX, 1))
    user_deep = jnp.concatenate([user_tiled, cap], axis=-1)
    h = jax.nn.relu(user_deep @ uW1 + ub1)
    user_dnn_out = jax.nn.relu(h @ uW2 + ub2)  # [B, K, 32]
    hi = jax.nn.relu(item_pool @ iW1 + ib1)
    item_dnn_out = jax.nn.relu(hi @ iW2 + ib2)  # [B, 1, 32]
    # label-aware attention over interests
    weight = jnp.sum(user_dnn_out * item_dnn_out, axis=-1, keepdims=True)
    attw = jax.nn.softmax(jnp.power(weight, POW_P), axis=1)
    user_final = jnp.sum(user_dnn_out * attw, axis=1)  # [B, 32]
    # sampled softmax approximated by in-batch softmax cross entropy
    logits = user_final @ item_dnn_out[:, 0, :].T  # [B, B]
    logp = jax.nn.log_softmax(logits, axis=-1)
    loss = -jnp.diagonal(logp)
    return loss[:, None]

if __name__ == "__main__":
    import jax
    _d = setup_inputs()
    print(jax.jit(kernel)(*tuple(_d.values())))

</pallas_src>

<mosaic_0001>
#map = affine_map<(d0, d1) -> (0)>
#map1 = affine_map<(d0, d1) -> (0, 0)>
module attributes {stable_mosaic.version = 14 : i64} {
  func.func @_sc_gather_item_body(%arg0: i32, %arg1: i32, %arg2: memref<204800xi32, #tpu.memory_space<hbm>>, %arg3: memref<4096xi32, #tpu.memory_space<hbm>>, %arg4: memref<507904x128xf32, #tpu.memory_space<hbm>>, %arg5: memref<204800x128xf32, #tpu.memory_space<hbm>>, %arg6: memref<4096x128xf32, #tpu.memory_space<hbm>>, %arg7: memref<128xi32, #tpu.memory_space<vmem>>, %arg8: memref<128x128xf32, #tpu.memory_space<vmem>>, %arg9: memref<128xi32, #tpu.memory_space<vmem>>, %arg10: memref<128x128xf32, #tpu.memory_space<vmem>>, %arg11: memref<!tpu.dma_semaphore, #tpu.memory_space<semaphore_mem>>) attributes {dimension_semantics = [#tpu.dimension_semantics<core_parallel>, #tpu.dimension_semantics<subcore_parallel>], iteration_bounds = array<i64: 2, 16>, scalar_prefetch = 0 : i64, scratch_operands = 5 : i64, tpu.core_type = #tpu.core_type<sc_vector_subcore>, window_params = [{transform_indices = #map}, {transform_indices = #map}, {transform_indices = #map1}, {transform_indices = #map1}, {transform_indices = #map1}]} {
    %mul3A = arith.constant 2 : i32
    %mul3A_0 = arith.muli %arg1, %mul3A : i32
    %add3A = arith.addi %mul3A_0, %arg0 : i32
    %mul3A_1 = arith.constant 6400 : i32
    %mul3A_2 = arith.muli %add3A, %mul3A_1 : i32
    %scan3A = arith.constant 0 : i32
    %scan3A_3 = arith.constant 0 : i32
    %scan3A_4 = arith.constant 50 : i32
    %scan3A_5 = arith.addi %scan3A_3, %scan3A_4 : i32
    %scan3A_6 = arith.constant 1 : i32
    scf.for %scan3A_14 = %scan3A_3 to %scan3A_5 step %scan3A_6  : i32 {
      %mul3A_15 = arith.constant 128 : i32
      %mul3A_16 = arith.muli %scan3A_14, %mul3A_15 : i32
      %add3A_17 = arith.addi %mul3A_2, %mul3A_16 : i32
      "tpu.region"() ({
        %run_scoped3A = tpu.sem_alloc : memref<!tpu.dma_semaphore, #tpu.memory_space<semaphore_mem>>
        %dma_start3A_27 = tpu.memref_slice %arg2[%add3A_17] : memref<204800xi32, #tpu.memory_space<hbm>> -> memref<128xi32, #tpu.memory_space<hbm>>
        %dma_start3A_28 = tpu.memref_slice %arg2[%add3A_17] : memref<204800xi32, #tpu.memory_space<hbm>> -> memref<128xi32, #tpu.memory_space<hbm>>
        tpu.enqueue_dma source(%dma_start3A_28 : memref<128xi32, #tpu.memory_space<hbm>>) target(%arg7 : memref<128xi32, #tpu.memory_space<vmem>>) target_semaphore(%run_scoped3A : memref<!tpu.dma_semaphore, #tpu.memory_space<semaphore_mem>>)
        %dma_wait3A_29 = tpu.memref_slice %arg2[%add3A_17] : memref<204800xi32, #tpu.memory_space<hbm>> -> memref<128xi32, #tpu.memory_space<hbm>>
        %dma_wait3A_30 = tpu.memref_slice %arg2[%add3A_17] : memref<204800xi32, #tpu.memory_space<hbm>> -> memref<128xi32, #tpu.memory_space<hbm>>
        tpu.wait_dma2 semaphore(%run_scoped3A : memref<!tpu.dma_semaphore, #tpu.memory_space<semaphore_mem>>) src(%dma_wait3A_30 : memref<128xi32, #tpu.memory_space<hbm>>) dst(%arg7 : memref<128xi32, #tpu.memory_space<vmem>>)
        tpu.yield
      }) : () -> ()
      %dma_start3A_18 = arith.constant 0 : i32
      %dma_start3A_19 = arith.constant 0 : i32
      %dma_start3A_20 = tpu.memref_slice %arg4[%dma_start3A_18, %dma_start3A_19] : memref<507904x128xf32, #tpu.memory_space<hbm>> -> memref<507904x128xf32, #tpu.memory_space<hbm>>
      tpu.enqueue_indirect_dma source(%dma_start3A_20 : memref<507904x128xf32, #tpu.memory_space<hbm>>) target(%arg8 : memref<128x128xf32, #tpu.memory_space<vmem>>) offsets(%arg7 : memref<128xi32, #tpu.memory_space<vmem>>) semaphore(%arg11 : memref<!tpu.dma_semaphore, #tpu.memory_space<semaphore_mem>>)
      %dma_wait3A_21 = arith.constant 0 : i32
      %dma_wait3A_22 = arith.constant 0 : i32
      %dma_wait3A_23 = tpu.memref_slice %arg4[%dma_wait3A_21, %dma_wait3A_22] : memref<507904x128xf32, #tpu.memory_space<hbm>> -> memref<507904x128xf32, #tpu.memory_space<hbm>>
      tpu.wait_indirect_dma semaphore(%arg11 : memref<!tpu.dma_semaphore, #tpu.memory_space<semaphore_mem>>) src(%dma_wait3A_23 : memref<507904x128xf32, #tpu.memory_space<hbm>>) dst(%arg8 : memref<128x128xf32, #tpu.memory_space<vmem>>)
      %mul3A_24 = arith.constant 128 : i32
      %mul3A_25 = arith.muli %scan3A_14, %mul3A_24 : i32
      %add3A_26 = arith.addi %mul3A_2, %mul3A_25 : i32
      "tpu.region"() ({
        %run_scoped3A = tpu.sem_alloc : memref<!tpu.dma_semaphore, #tpu.memory_space<semaphore_mem>>
        %dma_start3A_27 = arith.constant 0 : i32
        %dma_start3A_28 = tpu.memref_slice %arg5[%add3A_26, %dma_start3A_27] : memref<204800x128xf32, #tpu.memory_space<hbm>> -> memref<128x128xf32, #tpu.memory_space<hbm>>
        %dma_start3A_29 = arith.constant 0 : i32
        %dma_start3A_30 = tpu.memref_slice %arg5[%add3A_26, %dma_start3A_29] : memref<204800x128xf32, #tpu.memory_space<hbm>> -> memref<128x128xf32, #tpu.memory_space<hbm>>
        tpu.enqueue_dma source(%arg8 : memref<128x128xf32, #tpu.memory_space<vmem>>) target(%dma_start3A_30 : memref<128x128xf32, #tpu.memory_space<hbm>>) target_semaphore(%run_scoped3A : memref<!tpu.dma_semaphore, #tpu.memory_space<semaphore_mem>>)
        %dma_wait3A_31 = arith.constant 0 : i32
        %dma_wait3A_32 = tpu.memref_slice %arg5[%add3A_26, %dma_wait3A_31] : memref<204800x128xf32, #tpu.memory_space<hbm>> -> memref<128x128xf32, #tpu.memory_space<hbm>>
        %dma_wait3A_33 = arith.constant 0 : i32
        %dma_wait3A_34 = tpu.memref_slice %arg5[%add3A_26, %dma_wait3A_33] : memref<204800x128xf32, #tpu.memory_space<hbm>> -> memref<128x128xf32, #tpu.memory_space<hbm>>
        tpu.wait_dma2 semaphore(%run_scoped3A : memref<!tpu.dma_semaphore, #tpu.memory_space<semaphore_mem>>) src(%arg8 : memref<128x128xf32, #tpu.memory_space<vmem>>) dst(%dma_wait3A_34 : memref<128x128xf32, #tpu.memory_space<hbm>>)
        tpu.yield
      }) : () -> ()
    }
    %scan3A_7 = arith.constant 50 : i32
    %mul3A_8 = arith.constant 128 : i32
    %mul3A_9 = arith.muli %add3A, %mul3A_8 : i32
    "tpu.region"() ({
      %run_scoped3A = tpu.sem_alloc : memref<!tpu.dma_semaphore, #tpu.memory_space<semaphore_mem>>
      %dma_start3A_14 = tpu.memref_slice %arg3[%mul3A_9] : memref<4096xi32, #tpu.memory_space<hbm>> -> memref<128xi32, #tpu.memory_space<hbm>>
      %dma_start3A_15 = tpu.memref_slice %arg3[%mul3A_9] : memref<4096xi32, #tpu.memory_space<hbm>> -> memref<128xi32, #tpu.memory_space<hbm>>
      tpu.enqueue_dma source(%dma_start3A_15 : memref<128xi32, #tpu.memory_space<hbm>>) target(%arg9 : memref<128xi32, #tpu.memory_space<vmem>>) target_semaphore(%run_scoped3A : memref<!tpu.dma_semaphore, #tpu.memory_space<semaphore_mem>>)
      %dma_wait3A_16 = tpu.memref_slice %arg3[%mul3A_9] : memref<4096xi32, #tpu.memory_space<hbm>> -> memref<128xi32, #tpu.memory_space<hbm>>
      %dma_wait3A_17 = tpu.memref_slice %arg3[%mul3A_9] : memref<4096xi32, #tpu.memory_space<hbm>> -> memref<128xi32, #tpu.memory_space<hbm>>
      tpu.wait_dma2 semaphore(%run_scoped3A : memref<!tpu.dma_semaphore, #tpu.memory_space<semaphore_mem>>) src(%dma_wait3A_17 : memref<128xi32, #tpu.memory_space<hbm>>) dst(%arg9 : memref<128xi32, #tpu.memory_space<vmem>>)
      tpu.yield
    }) : () -> ()
    %dma_start3A = arith.constant 0 : i32
    %dma_start3A_10 = arith.constant 0 : i32
    %dma_start3A_11 = tpu.memref_slice %arg4[%dma_start3A, %dma_start3A_10] : memref<507904x128xf32, #tpu.memory_space<hbm>> -> memref<507904x128xf32, #tpu.memory_space<hbm>>
    tpu.enqueue_indirect_dma source(%dma_start3A_11 : memref<507904x128xf32, #tpu.memory_space<hbm>>) target(%arg10 : memref<128x128xf32, #tpu.memory_space<vmem>>) offsets(%arg9 : memref<128xi32, #tpu.memory_space<vmem>>) semaphore(%arg11 : memref<!tpu.dma_semaphore, #tpu.memory_space<semaphore_mem>>)
    %dma_wait3A = arith.constant 0 : i32
    %dma_wait3A_12 = arith.constant 0 : i32
    %dma_wait3A_13 = tpu.memref_slice %arg4[%dma_wait3A, %dma_wait3A_12] : memref<507904x128xf32, #tpu.memory_space<hbm>> -> memref<507904x128xf32, #tpu.memory_space<hbm>>
    tpu.wait_indirect_dma semaphore(%arg11 : memref<!tpu.dma_semaphore, #tpu.memory_space<semaphore_mem>>) src(%dma_wait3A_13 : memref<507904x128xf32, #tpu.memory_space<hbm>>) dst(%arg10 : memref<128x128xf32, #tpu.memory_space<vmem>>)
    "tpu.region"() ({
      %run_scoped3A = tpu.sem_alloc : memref<!tpu.dma_semaphore, #tpu.memory_space<semaphore_mem>>
      %dma_start3A_14 = arith.constant 0 : i32
      %dma_start3A_15 = tpu.memref_slice %arg6[%mul3A_9, %dma_start3A_14] : memref<4096x128xf32, #tpu.memory_space<hbm>> -> memref<128x128xf32, #tpu.memory_space<hbm>>
      %dma_start3A_16 = arith.constant 0 : i32
      %dma_start3A_17 = tpu.memref_slice %arg6[%mul3A_9, %dma_start3A_16] : memref<4096x128xf32, #tpu.memory_space<hbm>> -> memref<128x128xf32, #tpu.memory_space<hbm>>
      tpu.enqueue_dma source(%arg10 : memref<128x128xf32, #tpu.memory_space<vmem>>) target(%dma_start3A_17 : memref<128x128xf32, #tpu.memory_space<hbm>>) target_semaphore(%run_scoped3A : memref<!tpu.dma_semaphore, #tpu.memory_space<semaphore_mem>>)
      %dma_wait3A_18 = arith.constant 0 : i32
      %dma_wait3A_19 = tpu.memref_slice %arg6[%mul3A_9, %dma_wait3A_18] : memref<4096x128xf32, #tpu.memory_space<hbm>> -> memref<128x128xf32, #tpu.memory_space<hbm>>
      %dma_wait3A_20 = arith.constant 0 : i32
      %dma_wait3A_21 = tpu.memref_slice %arg6[%mul3A_9, %dma_wait3A_20] : memref<4096x128xf32, #tpu.memory_space<hbm>> -> memref<128x128xf32, #tpu.memory_space<hbm>>
      tpu.wait_dma2 semaphore(%run_scoped3A : memref<!tpu.dma_semaphore, #tpu.memory_space<semaphore_mem>>) src(%arg10 : memref<128x128xf32, #tpu.memory_space<vmem>>) dst(%dma_wait3A_21 : memref<128x128xf32, #tpu.memory_space<hbm>>)
      tpu.yield
    }) : () -> ()
    return
  }
}

#map = affine_map<(d0, d1) -> (0)>
#map1 = affine_map<(d0, d1) -> (0, 0)>
module attributes {stable_mosaic.version = 14 : i64} {
  func.func @_sc_gather_user_body(%arg0: i32, %arg1: i32, %arg2: memref<4096xi32, #tpu.memory_space<hbm>>, %arg3: memref<507904x128xf32, #tpu.memory_space<hbm>>, %arg4: memref<4096x128xf32, #tpu.memory_space<hbm>>, %arg5: memref<128xi32, #tpu.memory_space<vmem>>, %arg6: memref<128x128xf32, #tpu.memory_space<vmem>>, %arg7: memref<!tpu.dma_semaphore, #tpu.memory_space<semaphore_mem>>) attributes {dimension_semantics = [#tpu.dimension_semantics<core_parallel>, #tpu.dimension_semantics<subcore_parallel>], iteration_bounds = array<i64: 2, 16>, scalar_prefetch = 0 : i64, scratch_operands = 3 : i64, tpu.core_type = #tpu.core_type<sc_vector_subcore>, window_params = [{transform_indices = #map}, {transform_indices = #map1}, {transform_indices = #map1}]} {
    %mul3A = arith.constant 2 : i32
    %mul3A_0 = arith.muli %arg1, %mul3A : i32
    %add3A = arith.addi %mul3A_0, %arg0 : i32
    %mul3A_1 = arith.constant 128 : i32
    %mul3A_2 = arith.muli %add3A, %mul3A_1 : i32
    "tpu.region"() ({
      %run_scoped3A = tpu.sem_alloc : memref<!tpu.dma_semaphore, #tpu.memory_space<semaphore_mem>>
      %dma_start3A_7 = tpu.memref_slice %arg2[%mul3A_2] : memref<4096xi32, #tpu.memory_space<hbm>> -> memref<128xi32, #tpu.memory_space<hbm>>
      %dma_start3A_8 = tpu.memref_slice %arg2[%mul3A_2] : memref<4096xi32, #tpu.memory_space<hbm>> -> memref<128xi32, #tpu.memory_space<hbm>>
      tpu.enqueue_dma source(%dma_start3A_8 : memref<128xi32, #tpu.memory_space<hbm>>) target(%arg5 : memref<128xi32, #tpu.memory_space<vmem>>) target_semaphore(%run_scoped3A : memref<!tpu.dma_semaphore, #tpu.memory_space<semaphore_mem>>)
      %dma_wait3A_9 = tpu.memref_slice %arg2[%mul3A_2] : memref<4096xi32, #tpu.memory_space<hbm>> -> memref<128xi32, #tpu.memory_space<hbm>>
      %dma_wait3A_10 = tpu.memref_slice %arg2[%mul3A_2] : memref<4096xi32, #tpu.memory_space<hbm>> -> memref<128xi32, #tpu.memory_space<hbm>>
      tpu.wait_dma2 semaphore(%run_scoped3A : memref<!tpu.dma_semaphore, #tpu.memory_space<semaphore_mem>>) src(%dma_wait3A_10 : memref<128xi32, #tpu.memory_space<hbm>>) dst(%arg5 : memref<128xi32, #tpu.memory_space<vmem>>)
      tpu.yield
    }) : () -> ()
    %dma_start3A = arith.constant 0 : i32
    %dma_start3A_3 = arith.constant 0 : i32
    %dma_start3A_4 = tpu.memref_slice %arg3[%dma_start3A, %dma_start3A_3] : memref<507904x128xf32, #tpu.memory_space<hbm>> -> memref<507904x128xf32, #tpu.memory_space<hbm>>
    tpu.enqueue_indirect_dma source(%dma_start3A_4 : memref<507904x128xf32, #tpu.memory_space<hbm>>) target(%arg6 : memref<128x128xf32, #tpu.memory_space<vmem>>) offsets(%arg5 : memref<128xi32, #tpu.memory_space<vmem>>) semaphore(%arg7 : memref<!tpu.dma_semaphore, #tpu.memory_space<semaphore_mem>>)
    %dma_wait3A = arith.constant 0 : i32
    %dma_wait3A_5 = arith.constant 0 : i32
    %dma_wait3A_6 = tpu.memref_slice %arg3[%dma_wait3A, %dma_wait3A_5] : memref<507904x128xf32, #tpu.memory_space<hbm>> -> memref<507904x128xf32, #tpu.memory_space<hbm>>
    tpu.wait_indirect_dma semaphore(%arg7 : memref<!tpu.dma_semaphore, #tpu.memory_space<semaphore_mem>>) src(%dma_wait3A_6 : memref<507904x128xf32, #tpu.memory_space<hbm>>) dst(%arg6 : memref<128x128xf32, #tpu.memory_space<vmem>>)
    "tpu.region"() ({
      %run_scoped3A = tpu.sem_alloc : memref<!tpu.dma_semaphore, #tpu.memory_space<semaphore_mem>>
      %dma_start3A_7 = arith.constant 0 : i32
      %dma_start3A_8 = tpu.memref_slice %arg4[%mul3A_2, %dma_start3A_7] : memref<4096x128xf32, #tpu.memory_space<hbm>> -> memref<128x128xf32, #tpu.memory_space<hbm>>
      %dma_start3A_9 = arith.constant 0 : i32
      %dma_start3A_10 = tpu.memref_slice %arg4[%mul3A_2, %dma_start3A_9] : memref<4096x128xf32, #tpu.memory_space<hbm>> -> memref<128x128xf32, #tpu.memory_space<hbm>>
      tpu.enqueue_dma source(%arg6 : memref<128x128xf32, #tpu.memory_space<vmem>>) target(%dma_start3A_10 : memref<128x128xf32, #tpu.memory_space<hbm>>) target_semaphore(%run_scoped3A : memref<!tpu.dma_semaphore, #tpu.memory_space<semaphore_mem>>)
      %dma_wait3A_11 = arith.constant 0 : i32
      %dma_wait3A_12 = tpu.memref_slice %arg4[%mul3A_2, %dma_wait3A_11] : memref<4096x128xf32, #tpu.memory_space<hbm>> -> memref<128x128xf32, #tpu.memory_space<hbm>>
      %dma_wait3A_13 = arith.constant 0 : i32
      %dma_wait3A_14 = tpu.memref_slice %arg4[%mul3A_2, %dma_wait3A_13] : memref<4096x128xf32, #tpu.memory_space<hbm>> -> memref<128x128xf32, #tpu.memory_space<hbm>>
      tpu.wait_dma2 semaphore(%run_scoped3A : memref<!tpu.dma_semaphore, #tpu.memory_space<semaphore_mem>>) src(%arg6 : memref<128x128xf32, #tpu.memory_space<vmem>>) dst(%dma_wait3A_14 : memref<128x128xf32, #tpu.memory_space<hbm>>)
      tpu.yield
    }) : () -> ()
    return
  }
}

module attributes {stable_mosaic.version = 14 : i64} {
  func.func @_convert_body(%arg0: i32, %arg1: memref<64x7936xf32, #tpu.memory_space<vmem>>, %arg2: memref<64x7936xf32, #tpu.memory_space<vmem>>, %arg3: memref<7936x128xf32, #tpu.memory_space<vmem>>) attributes {dimension_semantics = [#tpu.dimension_semantics<arbitrary>], iteration_bounds = array<i64: 64>, scalar_prefetch = 0 : i64, scratch_operands = 0 : i64, tpu.core_type = #tpu.core_type<tc>, window_params = [{transform_indices = @transform_0, window_bounds = array<i64: 64, 7936>}, {transform_indices = @transform_1, window_bounds = array<i64: 64, 7936>}, {transform_indices = @transform_2, window_bounds = array<i64: 7936, 128>}]} {
    %iota3A = tpu.iota {dimensions = array<i32: 0>} : vector<64x64xi32>
    %iota3A_0 = tpu.iota {dimensions = array<i32: 1>} : vector<64x64xi32>
    %eq3A = arith.cmpi eq, %iota3A, %iota3A_0 : vector<64x64xi32>
    %convert_element_type3A = arith.extui %eq3A : vector<64x64xi1> to vector<64x64xi32>
    %convert_element_type3A_1 = arith.sitofp %convert_element_type3A : vector<64x64xi32> to vector<64x64xf32>
    %get3A = arith.constant 0 : index
    %get3A_2 = arith.constant 0 : index
    %get3A_3 = vector.load %arg1[%get3A, %get3A_2] : memref<64x7936xf32, #tpu.memory_space<vmem>>, vector<64x7936xf32>
    %dot_general3A = arith.constant dense<0.000000e+00> : vector<7936x64xf32>
    %dot_general3A_4 = tpu.matmul %get3A_3, %convert_element_type3A_1, %dot_general3A {dimension_numbers = #tpu.dot_dimension_numbers<[0], [0], [1], [1], [0, 1, 1, 1], [], []>, transpose_lhs_hint = true} : vector<64x7936xf32>, vector<64x64xf32>, vector<7936x64xf32> -> vector<7936x64xf32>
    %get3A_5 = arith.constant 0 : index
    %get3A_6 = arith.constant 0 : index
    %get3A_7 = vector.load %arg2[%get3A_5, %get3A_6] : memref<64x7936xf32, #tpu.memory_space<vmem>>, vector<64x7936xf32>
    %dot_general3A_8 = arith.constant dense<0.000000e+00> : vector<7936x64xf32>
    %dot_general3A_9 = tpu.matmul %get3A_7, %convert_element_type3A_1, %dot_general3A_8 {dimension_numbers = #tpu.dot_dimension_numbers<[0], [0], [1], [1], [0, 1, 1, 1], [], []>, transpose_lhs_hint = true} : vector<64x7936xf32>, vector<64x64xf32>, vector<7936x64xf32> -> vector<7936x64xf32>
    %concatenate3A = tpu.concatenate %dot_general3A_4, %dot_general3A_9 in 1 : vector<7936x64xf32>, vector<7936x64xf32> -> vector<7936x128xf32>
    %swap3A = arith.constant 0 : index
    %swap3A_10 = arith.constant 0 : index
    %swap3A_11 = vector.load %arg3[%swap3A, %swap3A_10] : memref<7936x128xf32, #tpu.memory_space<vmem>>, vector<7936x128xf32>
    tpu.vector_store %arg3[%swap3A, %swap3A_10], %concatenate3A {strides = array<i32>} : memref<7936x128xf32, #tpu.memory_space<vmem>>, vector<7936x128xf32>,
    return
  }
  func.func @transform_0(%arg0: i32) -> (i32, i32) {
    %c0_i32 = arith.constant 0 : i32
    %c0_i32_0 = arith.constant 0 : i32
    return %c0_i32, %arg0 : i32, i32
  }
  func.func @transform_1(%arg0: i32) -> (i32, i32) {
    %add3A = arith.constant 63 : i32
    %add3A_0 = arith.addi %arg0, %add3A : i32
    %c0_i32 = arith.constant 0 : i32
    %c0_i32_1 = arith.constant 0 : i32
    return %c0_i32, %add3A_0 : i32, i32
  }
  func.func @transform_2(%arg0: i32) -> (i32, i32) {
    %c0_i32 = arith.constant 0 : i32
    %c0_i32_0 = arith.constant 0 : i32
    return %arg0, %c0_i32 : i32, i32
  }
}

module attributes {stable_mosaic.version = 14 : i64} {
  func.func @_item_dnn_body(%arg0: memref<4096x128xf32, #tpu.memory_space<vmem>>, %arg1: memref<4096x1xi32, #tpu.memory_space<vmem>>, %arg2: memref<64x64xf32, #tpu.memory_space<vmem>>, %arg3: memref<1x64xf32, #tpu.memory_space<vmem>>, %arg4: memref<64x32xf32, #tpu.memory_space<vmem>>, %arg5: memref<1x32xf32, #tpu.memory_space<vmem>>, %arg6: memref<4096x32xf32, #tpu.memory_space<vmem>>) attributes {dimension_semantics = [], scalar_prefetch = 0 : i64, scratch_operands = 0 : i64, tpu.core_type = #tpu.core_type<tc>} {
    %get3A = arith.constant 0 : index
    %get3A_0 = arith.constant 0 : index
    %get3A_1 = vector.load %arg0[%get3A, %get3A_0] : memref<4096x128xf32, #tpu.memory_space<vmem>>, vector<4096x128xf32>
    %get3A_2 = arith.constant 0 : index
    %get3A_3 = arith.constant 0 : index
    %get3A_4 = vector.load %arg1[%get3A_2, %get3A_3] : memref<4096x1xi32, #tpu.memory_space<vmem>>, vector<4096x1xi32>
    %ge3A = arith.constant 499968 : i32
    %ge3A_5 = vector.broadcast %ge3A : i32 to vector<4096x1xi32>
    %ge3A_6 = arith.cmpi sge, %get3A_4, %ge3A_5 : vector<4096x1xi32>
    %convert_element_type3A = arith.extui %ge3A_6 : vector<4096x1xi1> to vector<4096x1xi32>
    %convert_element_type3A_7 = arith.sitofp %convert_element_type3A : vector<4096x1xi32> to vector<4096x1xf32>
    %slice3A = vector.extract_strided_slice %get3A_1 {offsets = [0, 0], sizes = [4096, 64], strides = [1, 1]} : vector<4096x128xf32> to vector<4096x64xf32>
    %slice3A_8 = vector.extract_strided_slice %get3A_1 {offsets = [0, 64], sizes = [4096, 64], strides = [1, 1]} : vector<4096x128xf32> to vector<4096x64xf32>
    %sub3A = arith.subf %slice3A_8, %slice3A : vector<4096x64xf32>
    %mul3A = vector.broadcast %convert_element_type3A_7 : vector<4096x1xf32> to vector<4096x64xf32>
    %mul3A_9 = arith.mulf %sub3A, %mul3A : vector<4096x64xf32>
    %add3A = arith.addf %slice3A, %mul3A_9 : vector<4096x64xf32>
    %get3A_10 = arith.constant 0 : index
    %get3A_11 = arith.constant 0 : index
    %get3A_12 = vector.load %arg2[%get3A_10, %get3A_11] : memref<64x64xf32, #tpu.memory_space<vmem>>, vector<64x64xf32>
    %dot_general3A = arith.constant dense<0.000000e+00> : vector<4096x64xf32>
    %dot_general3A_13 = tpu.matmul %add3A, %get3A_12, %dot_general3A {dimension_numbers = #tpu.dot_dimension_numbers<[1], [0], [0], [1], [0, 0, 1, 1], [], []>, transpose_lhs_hint = false} : vector<4096x64xf32>, vector<64x64xf32>, vector<4096x64xf32> -> vector<4096x64xf32>
    %get3A_14 = arith.constant 0 : index
    %get3A_15 = arith.constant 0 : index
    %get3A_16 = vector.load %arg3[%get3A_14, %get3A_15] : memref<1x64xf32, #tpu.memory_space<vmem>>, vector<1x64xf32>
    %add3A_17 = vector.broadcast %get3A_16 : vector<1x64xf32> to vector<4096x64xf32>
    %add3A_18 = arith.addf %dot_general3A_13, %add3A_17 : vector<4096x64xf32>
    %max3A = arith.constant 0.000000e+00 : f32
    %max3A_19 = vector.broadcast %max3A : f32 to vector<4096x64xf32>
    %max3A_20 = arith.maximumf %add3A_18, %max3A_19 : vector<4096x64xf32>
    %get3A_21 = arith.constant 0 : index
    %get3A_22 = arith.constant 0 : index
    %get3A_23 = vector.load %arg4[%get3A_21, %get3A_22] : memref<64x32xf32, #tpu.memory_space<vmem>>, vector<64x32xf32>
    %dot_general3A_24 = arith.constant dense<0.000000e+00> : vector<4096x32xf32>
    %dot_general3A_25 = tpu.matmul %max3A_20, %get3A_23, %dot_general3A_24 {dimension_numbers = #tpu.dot_dimension_numbers<[1], [0], [0], [1], [0, 0, 1, 1], [], []>, transpose_lhs_hint = false} : vector<4096x64xf32>, vector<64x32xf32>, vector<4096x32xf32> -> vector<4096x32xf32>
    %get3A_26 = arith.constant 0 : index
    %get3A_27 = arith.constant 0 : index
    %get3A_28 = vector.load %arg5[%get3A_26, %get3A_27] : memref<1x32xf32, #tpu.memory_space<vmem>>, vector<1x32xf32>
    %add3A_29 = vector.broadcast %get3A_28 : vector<1x32xf32> to vector<4096x32xf32>
    %add3A_30 = arith.addf %dot_general3A_25, %add3A_29 : vector<4096x32xf32>
    %max3A_31 = arith.constant 0.000000e+00 : f32
    %max3A_32 = vector.broadcast %max3A_31 : f32 to vector<4096x32xf32>
    %max3A_33 = arith.maximumf %add3A_30, %max3A_32 : vector<4096x32xf32>
    %swap3A = arith.constant 0 : index
    %swap3A_34 = arith.constant 0 : index
    %swap3A_35 = vector.load %arg6[%swap3A, %swap3A_34] : memref<4096x32xf32, #tpu.memory_space<vmem>>, vector<4096x32xf32>
    tpu.vector_store %arg6[%swap3A, %swap3A_34], %max3A_33 {strides = array<i32>} : memref<4096x32xf32, #tpu.memory_space<vmem>>, vector<4096x32xf32>,
    return
  }
}

module attributes {stable_mosaic.version = 14 : i64} {
  func.func @_main_body(%arg0: i32, %arg1: memref<6400x128xf32, #tpu.memory_space<vmem>>, %arg2: memref<6400x1xi32, #tpu.memory_space<vmem>>, %arg3: memref<128x128xf32, #tpu.memory_space<vmem>>, %arg4: memref<128x1xi32, #tpu.memory_space<vmem>>, %arg5: memref<128x1xi32, #tpu.memory_space<vmem>>, %arg6: memref<128x1xi32, #tpu.memory_space<vmem>>, %arg7: memref<4096x32xf32, #tpu.memory_space<vmem>>, %arg8: memref<128x32xf32, #tpu.memory_space<vmem>>, %arg9: memref<2x64xf32, #tpu.memory_space<vmem>>, %arg10: memref<51x64xf32, #tpu.memory_space<vmem>>, %arg11: memref<64x64xf32, #tpu.memory_space<vmem>>, %arg12: memref<2x50xf32, #tpu.memory_space<vmem>>, %arg13: memref<256x64xf32, #tpu.memory_space<vmem>>, %arg14: memref<1x64xf32, #tpu.memory_space<vmem>>, %arg15: memref<64x32xf32, #tpu.memory_space<vmem>>, %arg16: memref<1x32xf32, #tpu.memory_space<vmem>>, %arg17: memref<128x1xf32, #tpu.memory_space<vmem>>) attributes {dimension_semantics = [#tpu.dimension_semantics<arbitrary>], iteration_bounds = array<i64: 32>, scalar_prefetch = 0 : i64, scratch_operands = 0 : i64, tpu.core_type = #tpu.core_type<tc>, window_params = [{transform_indices = @transform_0, window_bounds = array<i64: 6400, 128>}, {transform_indices = @transform_1, window_bounds = array<i64: 6400, 1>}, {transform_indices = @transform_2, window_bounds = array<i64: 128, 128>}, {transform_indices = @transform_3, window_bounds = array<i64: 128, 1>}, {transform_indices = @transform_4, window_bounds = array<i64: 128, 1>}, {transform_indices = @transform_5, window_bounds = array<i64: 128, 1>}, {pipeline_mode = #tpu.pipeline_mode<synchronous>, transform_indices = @transform_6, window_bounds = array<i64: 4096, 32>}, {transform_indices = @transform_7, window_bounds = array<i64: 128, 32>}, {pipeline_mode = #tpu.pipeline_mode<synchronous>, transform_indices = @transform_8, window_bounds = array<i64: 2, 64>}, {pipeline_mode = #tpu.pipeline_mode<synchronous>, transform_indices = @transform_9, window_bounds = array<i64: 51, 64>}, {pipeline_mode = #tpu.pipeline_mode<synchronous>, transform_indices = @transform_10, window_bounds = array<i64: 64, 64>}, {pipeline_mode = #tpu.pipeline_mode<synchronous>, transform_indices = @transform_11, window_bounds = array<i64: 2, 50>}, {pipeline_mode = #tpu.pipeline_mode<synchronous>, transform_indices = @transform_12, window_bounds = array<i64: 256, 64>}, {pipeline_mode = #tpu.pipeline_mode<synchronous>, transform_indices = @transform_13, window_bounds = array<i64: 1, 64>}, {pipeline_mode = #tpu.pipeline_mode<synchronous>, transform_indices = @transform_14, window_bounds = array<i64: 64, 32>}, {pipeline_mode = #tpu.pipeline_mode<synchronous>, transform_indices = @transform_15, window_bounds = array<i64: 1, 32>}, {transform_indices = @transform_16, window_bounds = array<i64: 128, 1>}]} {
    %get3A = arith.constant 0 : index
    %get3A_0 = arith.constant 0 : index
    %get3A_1 = vector.load %arg1[%get3A, %get3A_0] : memref<6400x128xf32, #tpu.memory_space<vmem>>, vector<6400x128xf32>
    %get3A_2 = arith.constant 0 : index
    %get3A_3 = arith.constant 0 : index
    %get3A_4 = vector.load %arg2[%get3A_2, %get3A_3] : memref<6400x1xi32, #tpu.memory_space<vmem>>, vector<6400x1xi32>
    %ge3A = arith.constant 499968 : i32
    %ge3A_5 = vector.broadcast %ge3A : i32 to vector<6400x1xi32>
    %ge3A_6 = arith.cmpi sge, %get3A_4, %ge3A_5 : vector<6400x1xi32>
    %convert_element_type3A = arith.extui %ge3A_6 : vector<6400x1xi1> to vector<6400x1xi32>
    %convert_element_type3A_7 = arith.sitofp %convert_element_type3A : vector<6400x1xi32> to vector<6400x1xf32>
    %slice3A = vector.extract_strided_slice %get3A_1 {offsets = [0, 0], sizes = [6400, 64], strides = [1, 1]} : vector<6400x128xf32> to vector<6400x64xf32>
    %slice3A_8 = vector.extract_strided_slice %get3A_1 {offsets = [0, 64], sizes = [6400, 64], strides = [1, 1]} : vector<6400x128xf32> to vector<6400x64xf32>
    %sub3A = arith.subf %slice3A_8, %slice3A : vector<6400x64xf32>
    %mul3A = vector.broadcast %convert_element_type3A_7 : vector<6400x1xf32> to vector<6400x64xf32>
    %mul3A_9 = arith.mulf %sub3A, %mul3A : vector<6400x64xf32>
    %add3A = arith.addf %slice3A, %mul3A_9 : vector<6400x64xf32>
    %get3A_10 = arith.constant 0 : index
    %get3A_11 = arith.constant 0 : index
    %get3A_12 = vector.load %arg11[%get3A_10, %get3A_11] : memref<64x64xf32, #tpu.memory_space<vmem>>, vector<64x64xf32>
    %dot_general3A = arith.constant dense<0.000000e+00> : vector<6400x64xf32>
    %dot_general3A_13 = tpu.matmul %add3A, %get3A_12, %dot_general3A {dimension_numbers = #tpu.dot_dimension_numbers<[1], [0], [0], [1], [0, 0, 1, 1], [], []>, transpose_lhs_hint = false} : vector<6400x64xf32>, vector<64x64xf32>, vector<6400x64xf32> -> vector<6400x64xf32>
    %reshape3A = vector.shape_cast %dot_general3A_13 : vector<6400x64xf32> to vector<128x50x64xf32>
    %get3A_14 = arith.constant 0 : index
    %get3A_15 = arith.constant 0 : index
    %get3A_16 = vector.load %arg6[%get3A_14, %get3A_15] : memref<128x1xi32, #tpu.memory_space<vmem>>, vector<128x1xi32>
    %convert_element_type3A_17 = arith.sitofp %get3A_16 : vector<128x1xi32> to vector<128x1xf32>
    %max3A = arith.constant 1.000000e+00 : f32
    %max3A_18 = vector.broadcast %max3A : f32 to vector<128x1xf32>
    %max3A_19 = arith.maximumf %convert_element_type3A_17, %max3A_18 : vector<128x1xf32>
    %iota3A = tpu.iota {dimensions = array<i32: 1>} : vector<128x50xi32>
    %convert_element_type3A_20 = arith.sitofp %iota3A : vector<128x50xi32> to vector<128x50xf32>
    %lt3A = vector.broadcast %max3A_19 : vector<128x1xf32> to vector<128x50xf32>
    %lt3A_21 = arith.cmpf olt, %convert_element_type3A_20, %lt3A : vector<128x50xf32>
    %convert_element_type3A_22 = arith.extui %lt3A_21 : vector<128x50xi1> to vector<128x50xi32>
    %convert_element_type3A_23 = arith.sitofp %convert_element_type3A_22 : vector<128x50xi32> to vector<128x50xf32>
    %get3A_24 = arith.constant 0 : index
    %get3A_25 = arith.constant 0 : index
    %get3A_26 = vector.load %arg12[%get3A_24, %get3A_25] : memref<2x50xf32, #tpu.memory_space<vmem>>, vector<1x50xf32>
    %broadcast_in_dim3A = vector.shape_cast %get3A_26 : vector<1x50xf32> to vector<1x50xf32>
    %broadcast_in_dim3A_27 = vector.broadcast %broadcast_in_dim3A : vector<1x50xf32> to vector<128x50xf32>
    %get3A_28 = arith.constant 1 : index
    %get3A_29 = arith.constant 0 : index
    %get3A_30 = vector.load %arg12[%get3A_28, %get3A_29] : memref<2x50xf32, #tpu.memory_space<vmem>>, vector<1x50xf32>
    %broadcast_in_dim3A_31 = vector.shape_cast %get3A_30 : vector<1x50xf32> to vector<1x50xf32>
    %broadcast_in_dim3A_32 = vector.broadcast %broadcast_in_dim3A_31 : vector<1x50xf32> to vector<128x50xf32>
    %max3A_33 = arith.maximumf %broadcast_in_dim3A_27, %broadcast_in_dim3A_32 : vector<128x50xf32>
    %sub3A_34 = arith.subf %broadcast_in_dim3A_27, %max3A_33 : vector<128x50xf32>
    %exp3A = math.exp %sub3A_34 : vector<128x50xf32>
    %sub3A_35 = arith.subf %broadcast_in_dim3A_32, %max3A_33 : vector<128x50xf32>
    %exp3A_36 = math.exp %sub3A_35 : vector<128x50xf32>
    %add3A_37 = arith.addf %exp3A, %exp3A_36 : vector<128x50xf32>
    %div3A = arith.divf %exp3A, %add3A_37 : vector<128x50xf32>
    %mul3A_38 = arith.mulf %div3A, %convert_element_type3A_23 : vector<128x50xf32>
    %div3A_39 = arith.divf %exp3A_36, %add3A_37 : vector<128x50xf32>
    %mul3A_40 = arith.mulf %div3A_39, %convert_element_type3A_23 : vector<128x50xf32>
    %broadcast_in_dim3A_41 = vector.shape_cast %mul3A_38 : vector<128x50xf32> to vector<128x50x1xf32>
    %mul3A_42 = vector.broadcast %broadcast_in_dim3A_41 : vector<128x50x1xf32> to vector<128x50x64xf32>
    %mul3A_43 = arith.mulf %mul3A_42, %reshape3A : vector<128x50x64xf32>
    %reduce_sum3A = arith.constant dense<0.000000e+00> : vector<128x64xf32>
    %reduce_sum3A_44 = vector.multi_reduction <add>, %mul3A_43, %reduce_sum3A [1] : vector<128x50x64xf32> to vector<128x64xf32>
    %broadcast_in_dim3A_45 = vector.shape_cast %mul3A_40 : vector<128x50xf32> to vector<128x50x1xf32>
    %mul3A_46 = vector.broadcast %broadcast_in_dim3A_45 : vector<128x50x1xf32> to vector<128x50x64xf32>
    %mul3A_47 = arith.mulf %mul3A_46, %reshape3A : vector<128x50x64xf32>
    %reduce_sum3A_48 = arith.constant dense<0.000000e+00> : vector<128x64xf32>
    %reduce_sum3A_49 = vector.multi_reduction <add>, %mul3A_47, %reduce_sum3A_48 [1] : vector<128x50x64xf32> to vector<128x64xf32>
    %square3A = arith.mulf %reduce_sum3A_44, %reduce_sum3A_44 : vector<128x64xf32>
    %reduce_sum3A_50 = arith.constant dense<0.000000e+00> : vector<128xf32>
    %reduce_sum3A_51 = vector.multi_reduction <add>, %square3A, %reduce_sum3A_50 [1] : vector<128x64xf32> to vector<128xf32>
    %broadcast_in_dim3A_52 = vector.shape_cast %reduce_sum3A_51 : vector<128xf32> to vector<128x1xf32>
    %add3A_53 = arith.constant 1.000000e+00 : f32
    %add3A_54 = vector.broadcast %add3A_53 : f32 to vector<128x1xf32>
    %add3A_55 = arith.addf %add3A_54, %broadcast_in_dim3A_52 : vector<128x1xf32>
    %div3A_56 = arith.divf %broadcast_in_dim3A_52, %add3A_55 : vector<128x1xf32>
    %mul3A_57 = vector.broadcast %div3A_56 : vector<128x1xf32> to vector<128x64xf32>
    %mul3A_58 = arith.mulf %mul3A_57, %reduce_sum3A_44 : vector<128x64xf32>
    %add3A_59 = arith.constant 9.99999971E-10 : f32
    %add3A_60 = vector.broadcast %add3A_59 : f32 to vector<128x1xf32>
    %add3A_61 = arith.addf %broadcast_in_dim3A_52, %add3A_60 : vector<128x1xf32>
    %sqrt3A = math.sqrt %add3A_61 : vector<128x1xf32>
    %div3A_62 = vector.broadcast %sqrt3A : vector<128x1xf32> to vector<128x64xf32>
    %div3A_63 = arith.divf %mul3A_58, %div3A_62 : vector<128x64xf32>
    %square3A_64 = arith.mulf %reduce_sum3A_49, %reduce_sum3A_49 : vector<128x64xf32>
    %reduce_sum3A_65 = arith.constant dense<0.000000e+00> : vector<128xf32>
    %reduce_sum3A_66 = vector.multi_reduction <add>, %square3A_64, %reduce_sum3A_65 [1] : vector<128x64xf32> to vector<128xf32>
    %broadcast_in_dim3A_67 = vector.shape_cast %reduce_sum3A_66 : vector<128xf32> to vector<128x1xf32>
    %add3A_68 = arith.constant 1.000000e+00 : f32
    %add3A_69 = vector.broadcast %add3A_68 : f32 to vector<128x1xf32>
    %add3A_70 = arith.addf %add3A_69, %broadcast_in_dim3A_67 : vector<128x1xf32>
    %div3A_71 = arith.divf %broadcast_in_dim3A_67, %add3A_70 : vector<128x1xf32>
    %mul3A_72 = vector.broadcast %div3A_71 : vector<128x1xf32> to vector<128x64xf32>
    %mul3A_73 = arith.mulf %mul3A_72, %reduce_sum3A_49 : vector<128x64xf32>
    %add3A_74 = arith.constant 9.99999971E-10 : f32
    %add3A_75 = vector.broadcast %add3A_74 : f32 to vector<128x1xf32>
    %add3A_76 = arith.addf %broadcast_in_dim3A_67, %add3A_75 : vector<128x1xf32>
    %sqrt3A_77 = math.sqrt %add3A_76 : vector<128x1xf32>
    %div3A_78 = vector.broadcast %sqrt3A_77 : vector<128x1xf32> to vector<128x64xf32>
    %div3A_79 = arith.divf %mul3A_73, %div3A_78 : vector<128x64xf32>
    %broadcast_in_dim3A_80 = vector.shape_cast %div3A_63 : vector<128x64xf32> to vector<128x1x64xf32>
    %mul3A_81 = vector.broadcast %broadcast_in_dim3A_80 : vector<128x1x64xf32> to vector<128x50x64xf32>
    %mul3A_82 = arith.mulf %mul3A_81, %reshape3A : vector<128x50x64xf32>
    %reduce_sum3A_83 = arith.constant dense<0.000000e+00> : vector<128x50xf32>
    %reduce_sum3A_84 = vector.multi_reduction <add>, %mul3A_82, %reduce_sum3A_83 [2] : vector<128x50x64xf32> to vector<128x50xf32>
    %add3A_85 = arith.addf %broadcast_in_dim3A_27, %reduce_sum3A_84 : vector<128x50xf32>
    %broadcast_in_dim3A_86 = vector.shape_cast %div3A_79 : vector<128x64xf32> to vector<128x1x64xf32>
    %mul3A_87 = vector.broadcast %broadcast_in_dim3A_86 : vector<128x1x64xf32> to vector<128x50x64xf32>
    %mul3A_88 = arith.mulf %mul3A_87, %reshape3A : vector<128x50x64xf32>
    %reduce_sum3A_89 = arith.constant dense<0.000000e+00> : vector<128x50xf32>
    %reduce_sum3A_90 = vector.multi_reduction <add>, %mul3A_88, %reduce_sum3A_89 [2] : vector<128x50x64xf32> to vector<128x50xf32>
    %add3A_91 = arith.addf %broadcast_in_dim3A_32, %reduce_sum3A_90 : vector<128x50xf32>
    %max3A_92 = arith.maximumf %add3A_85, %add3A_91 : vector<128x50xf32>
    %sub3A_93 = arith.subf %add3A_85, %max3A_92 : vector<128x50xf32>
    %exp3A_94 = math.exp %sub3A_93 : vector<128x50xf32>
    %sub3A_95 = arith.subf %add3A_91, %max3A_92 : vector<128x50xf32>
    %exp3A_96 = math.exp %sub3A_95 : vector<128x50xf32>
    %add3A_97 = arith.addf %exp3A_94, %exp3A_96 : vector<128x50xf32>
    %div3A_98 = arith.divf %exp3A_94, %add3A_97 : vector<128x50xf32>
    %mul3A_99 = arith.mulf %div3A_98, %convert_element_type3A_23 : vector<128x50xf32>
    %div3A_100 = arith.divf %exp3A_96, %add3A_97 : vector<128x50xf32>
    %mul3A_101 = arith.mulf %div3A_100, %convert_element_type3A_23 : vector<128x50xf32>
    %broadcast_in_dim3A_102 = vector.shape_cast %mul3A_99 : vector<128x50xf32> to vector<128x50x1xf32>
    %mul3A_103 = vector.broadcast %broadcast_in_dim3A_102 : vector<128x50x1xf32> to vector<128x50x64xf32>
    %mul3A_104 = arith.mulf %mul3A_103, %reshape3A : vector<128x50x64xf32>
    %reduce_sum3A_105 = arith.constant dense<0.000000e+00> : vector<128x64xf32>
    %reduce_sum3A_106 = vector.multi_reduction <add>, %mul3A_104, %reduce_sum3A_105 [1] : vector<128x50x64xf32> to vector<128x64xf32>
    %broadcast_in_dim3A_107 = vector.shape_cast %mul3A_101 : vector<128x50xf32> to vector<128x50x1xf32>
    %mul3A_108 = vector.broadcast %broadcast_in_dim3A_107 : vector<128x50x1xf32> to vector<128x50x64xf32>
    %mul3A_109 = arith.mulf %mul3A_108, %reshape3A : vector<128x50x64xf32>
    %reduce_sum3A_110 = arith.constant dense<0.000000e+00> : vector<128x64xf32>
    %reduce_sum3A_111 = vector.multi_reduction <add>, %mul3A_109, %reduce_sum3A_110 [1] : vector<128x50x64xf32> to vector<128x64xf32>
    %square3A_112 = arith.mulf %reduce_sum3A_106, %reduce_sum3A_106 : vector<128x64xf32>
    %reduce_sum3A_113 = arith.constant dense<0.000000e+00> : vector<128xf32>
    %reduce_sum3A_114 = vector.multi_reduction <add>, %square3A_112, %reduce_sum3A_113 [1] : vector<128x64xf32> to vector<128xf32>
    %broadcast_in_dim3A_115 = vector.shape_cast %reduce_sum3A_114 : vector<128xf32> to vector<128x1xf32>
    %add3A_116 = arith.constant 1.000000e+00 : f32
    %add3A_117 = vector.broadcast %add3A_116 : f32 to vector<128x1xf32>
    %add3A_118 = arith.addf %add3A_117, %broadcast_in_dim3A_115 : vector<128x1xf32>
    %div3A_119 = arith.divf %broadcast_in_dim3A_115, %add3A_118 : vector<128x1xf32>
    %mul3A_120 = vector.broadcast %div3A_119 : vector<128x1xf32> to vector<128x64xf32>
    %mul3A_121 = arith.mulf %mul3A_120, %reduce_sum3A_106 : vector<128x64xf32>
    %add3A_122 = arith.constant 9.99999971E-10 : f32
    %add3A_123 = vector.broadcast %add3A_122 : f32 to vector<128x1xf32>
    %add3A_124 = arith.addf %broadcast_in_dim3A_115, %add3A_123 : vector<128x1xf32>
    %sqrt3A_125 = math.sqrt %add3A_124 : vector<128x1xf32>
    %div3A_126 = vector.broadcast %sqrt3A_125 : vector<128x1xf32> to vector<128x64xf32>
    %div3A_127 = arith.divf %mul3A_121, %div3A_126 : vector<128x64xf32>
    %square3A_128 = arith.mulf %reduce_sum3A_111, %reduce_sum3A_111 : vector<128x64xf32>
    %reduce_sum3A_129 = arith.constant dense<0.000000e+00> : vector<128xf32>
    %reduce_sum3A_130 = vector.multi_reduction <add>, %square3A_128, %reduce_sum3A_129 [1] : vector<128x64xf32> to vector<128xf32>
    %broadcast_in_dim3A_131 = vector.shape_cast %reduce_sum3A_130 : vector<128xf32> to vector<128x1xf32>
    %add3A_132 = arith.constant 1.000000e+00 : f32
    %add3A_133 = vector.broadcast %add3A_132 : f32 to vector<128x1xf32>
    %add3A_134 = arith.addf %add3A_133, %broadcast_in_dim3A_131 : vector<128x1xf32>
    %div3A_135 = arith.divf %broadcast_in_dim3A_131, %add3A_134 : vector<128x1xf32>
    %mul3A_136 = vector.broadcast %div3A_135 : vector<128x1xf32> to vector<128x64xf32>
    %mul3A_137 = arith.mulf %mul3A_136, %reduce_sum3A_111 : vector<128x64xf32>
    %add3A_138 = arith.constant 9.99999971E-10 : f32
    %add3A_139 = vector.broadcast %add3A_138 : f32 to vector<128x1xf32>
    %add3A_140 = arith.addf %broadcast_in_dim3A_131, %add3A_139 : vector<128x1xf32>
    %sqrt3A_141 = math.sqrt %add3A_140 : vector<128x1xf32>
    %div3A_142 = vector.broadcast %sqrt3A_141 : vector<128x1xf32> to vector<128x64xf32>
    %div3A_143 = arith.divf %mul3A_137, %div3A_142 : vector<128x64xf32>
    %broadcast_in_dim3A_144 = vector.shape_cast %div3A_127 : vector<128x64xf32> to vector<128x1x64xf32>
    %mul3A_145 = vector.broadcast %broadcast_in_dim3A_144 : vector<128x1x64xf32> to vector<128x50x64xf32>
    %mul3A_146 = arith.mulf %mul3A_145, %reshape3A : vector<128x50x64xf32>
    %reduce_sum3A_147 = arith.constant dense<0.000000e+00> : vector<128x50xf32>
    %reduce_sum3A_148 = vector.multi_reduction <add>, %mul3A_146, %reduce_sum3A_147 [2] : vector<128x50x64xf32> to vector<128x50xf32>
    %add3A_149 = arith.addf %add3A_85, %reduce_sum3A_148 : vector<128x50xf32>
    %broadcast_in_dim3A_150 = vector.shape_cast %div3A_143 : vector<128x64xf32> to vector<128x1x64xf32>
    %mul3A_151 = vector.broadcast %broadcast_in_dim3A_150 : vector<128x1x64xf32> to vector<128x50x64xf32>
    %mul3A_152 = arith.mulf %mul3A_151, %reshape3A : vector<128x50x64xf32>
    %reduce_sum3A_153 = arith.constant dense<0.000000e+00> : vector<128x50xf32>
    %reduce_sum3A_154 = vector.multi_reduction <add>, %mul3A_152, %reduce_sum3A_153 [2] : vector<128x50x64xf32> to vector<128x50xf32>
    %add3A_155 = arith.addf %add3A_91, %reduce_sum3A_154 : vector<128x50xf32>
    %max3A_156 = arith.maximumf %add3A_149, %add3A_155 : vector<128x50xf32>
    %sub3A_157 = arith.subf %add3A_149, %max3A_156 : vector<128x50xf32>
    %exp3A_158 = math.exp %sub3A_157 : vector<128x50xf32>
    %sub3A_159 = arith.subf %add3A_155, %max3A_156 : vector<128x50xf32>
    %exp3A_160 = math.exp %sub3A_159 : vector<128x50xf32>
    %add3A_161 = arith.addf %exp3A_158, %exp3A_160 : vector<128x50xf32>
    %div3A_162 = arith.divf %exp3A_158, %add3A_161 : vector<128x50xf32>
    %mul3A_163 = arith.mulf %div3A_162, %convert_element_type3A_23 : vector<128x50xf32>
    %div3A_164 = arith.divf %exp3A_160, %add3A_161 : vector<128x50xf32>
    %mul3A_165 = arith.mulf %div3A_164, %convert_element_type3A_23 : vector<128x50xf32>
    %broadcast_in_dim3A_166 = vector.shape_cast %mul3A_163 : vector<128x50xf32> to vector<128x50x1xf32>
    %mul3A_167 = vector.broadcast %broadcast_in_dim3A_166 : vector<128x50x1xf32> to vector<128x50x64xf32>
    %mul3A_168 = arith.mulf %mul3A_167, %reshape3A : vector<128x50x64xf32>
    %reduce_sum3A_169 = arith.constant dense<0.000000e+00> : vector<128x64xf32>
    %reduce_sum3A_170 = vector.multi_reduction <add>, %mul3A_168, %reduce_sum3A_169 [1] : vector<128x50x64xf32> to vector<128x64xf32>
    %broadcast_in_dim3A_171 = vector.shape_cast %mul3A_165 : vector<128x50xf32> to vector<128x50x1xf32>
    %mul3A_172 = vector.broadcast %broadcast_in_dim3A_171 : vector<128x50x1xf32> to vector<128x50x64xf32>
    %mul3A_173 = arith.mulf %mul3A_172, %reshape3A : vector<128x50x64xf32>
    %reduce_sum3A_174 = arith.constant dense<0.000000e+00> : vector<128x64xf32>
    %reduce_sum3A_175 = vector.multi_reduction <add>, %mul3A_173, %reduce_sum3A_174 [1] : vector<128x50x64xf32> to vector<128x64xf32>
    %square3A_176 = arith.mulf %reduce_sum3A_170, %reduce_sum3A_170 : vector<128x64xf32>
    %reduce_sum3A_177 = arith.constant dense<0.000000e+00> : vector<128xf32>
    %reduce_sum3A_178 = vector.multi_reduction <add>, %square3A_176, %reduce_sum3A_177 [1] : vector<128x64xf32> to vector<128xf32>
    %broadcast_in_dim3A_179 = vector.shape_cast %reduce_sum3A_178 : vector<128xf32> to vector<128x1xf32>
    %add3A_180 = arith.constant 1.000000e+00 : f32
    %add3A_181 = vector.broadcast %add3A_180 : f32 to vector<128x1xf32>
    %add3A_182 = arith.addf %add3A_181, %broadcast_in_dim3A_179 : vector<128x1xf32>
    %div3A_183 = arith.divf %broadcast_in_dim3A_179, %add3A_182 : vector<128x1xf32>
    %mul3A_184 = vector.broadcast %div3A_183 : vector<128x1xf32> to vector<128x64xf32>
    %mul3A_185 = arith.mulf %mul3A_184, %reduce_sum3A_170 : vector<128x64xf32>
    %add3A_186 = arith.constant 9.99999971E-10 : f32
    %add3A_187 = vector.broadcast %add3A_186 : f32 to vector<128x1xf32>
    %add3A_188 = arith.addf %broadcast_in_dim3A_179, %add3A_187 : vector<128x1xf32>
    %sqrt3A_189 = math.sqrt %add3A_188 : vector<128x1xf32>
    %div3A_190 = vector.broadcast %sqrt3A_189 : vector<128x1xf32> to vector<128x64xf32>
    %div3A_191 = arith.divf %mul3A_185, %div3A_190 : vector<128x64xf32>
    %square3A_192 = arith.mulf %reduce_sum3A_175, %reduce_sum3A_175 : vector<128x64xf32>
    %reduce_sum3A_193 = arith.constant dense<0.000000e+00> : vector<128xf32>
    %reduce_sum3A_194 = vector.multi_reduction <add>, %square3A_192, %reduce_sum3A_193 [1] : vector<128x64xf32> to vector<128xf32>
    %broadcast_in_dim3A_195 = vector.shape_cast %reduce_sum3A_194 : vector<128xf32> to vector<128x1xf32>
    %add3A_196 = arith.constant 1.000000e+00 : f32
    %add3A_197 = vector.broadcast %add3A_196 : f32 to vector<128x1xf32>
    %add3A_198 = arith.addf %add3A_197, %broadcast_in_dim3A_195 : vector<128x1xf32>
    %div3A_199 = arith.divf %broadcast_in_dim3A_195, %add3A_198 : vector<128x1xf32>
    %mul3A_200 = vector.broadcast %div3A_199 : vector<128x1xf32> to vector<128x64xf32>
    %mul3A_201 = arith.mulf %mul3A_200, %reduce_sum3A_175 : vector<128x64xf32>
    %add3A_202 = arith.constant 9.99999971E-10 : f32
    %add3A_203 = vector.broadcast %add3A_202 : f32 to vector<128x1xf32>
    %add3A_204 = arith.addf %broadcast_in_dim3A_195, %add3A_203 : vector<128x1xf32>
    %sqrt3A_205 = math.sqrt %add3A_204 : vector<128x1xf32>
    %div3A_206 = vector.broadcast %sqrt3A_205 : vector<128x1xf32> to vector<128x64xf32>
    %div3A_207 = arith.divf %mul3A_201, %div3A_206 : vector<128x64xf32>
    %get3A_208 = arith.constant 0 : index
    %get3A_209 = arith.constant 0 : index
    %get3A_210 = vector.load %arg3[%get3A_208, %get3A_209] : memref<128x128xf32, #tpu.memory_space<vmem>>, vector<128x128xf32>
    %get3A_211 = arith.constant 0 : index
    %get3A_212 = arith.constant 0 : index
    %get3A_213 = vector.load %arg4[%get3A_211, %get3A_212] : memref<128x1xi32, #tpu.memory_space<vmem>>, vector<128x1xi32>
    %ge3A_214 = arith.constant 499968 : i32
    %ge3A_215 = vector.broadcast %ge3A_214 : i32 to vector<128x1xi32>
    %ge3A_216 = arith.cmpi sge, %get3A_213, %ge3A_215 : vector<128x1xi32>
    %convert_element_type3A_217 = arith.extui %ge3A_216 : vector<128x1xi1> to vector<128x1xi32>
    %convert_element_type3A_218 = arith.sitofp %convert_element_type3A_217 : vector<128x1xi32> to vector<128x1xf32>
    %slice3A_219 = vector.extract_strided_slice %get3A_210 {offsets = [0, 0], sizes = [128, 64], strides = [1, 1]} : vector<128x128xf32> to vector<128x64xf32>
    %slice3A_220 = vector.extract_strided_slice %get3A_210 {offsets = [0, 64], sizes = [128, 64], strides = [1, 1]} : vector<128x128xf32> to vector<128x64xf32>
    %sub3A_221 = arith.subf %slice3A_220, %slice3A_219 : vector<128x64xf32>
    %mul3A_222 = vector.broadcast %convert_element_type3A_218 : vector<128x1xf32> to vector<128x64xf32>
    %mul3A_223 = arith.mulf %sub3A_221, %mul3A_222 : vector<128x64xf32>
    %add3A_224 = arith.addf %slice3A_219, %mul3A_223 : vector<128x64xf32>
    %get3A_225 = arith.constant 0 : index
    %get3A_226 = arith.constant 0 : index
    %get3A_227 = vector.load %arg5[%get3A_225, %get3A_226] : memref<128x1xi32, #tpu.memory_space<vmem>>, vector<128x1xi32>
    %convert_element_type3A_228 = arith.sitofp %get3A_227 : vector<128x1xi32> to vector<128x1xf32>
    %get3A_229 = arith.constant 0 : index
    %get3A_230 = arith.constant 0 : index
    %get3A_231 = vector.load %arg9[%get3A_229, %get3A_230] : memref<2x64xf32, #tpu.memory_space<vmem>>, vector<1x64xf32>
    %get3A_232 = arith.constant 1 : index
    %get3A_233 = arith.constant 0 : index
    %get3A_234 = vector.load %arg9[%get3A_232, %get3A_233] : memref<2x64xf32, #tpu.memory_space<vmem>>, vector<1x64xf32>
    %get3A_235 = arith.constant 0 : index
    %get3A_236 = arith.constant 0 : index
    %get3A_237 = vector.load %arg9[%get3A_235, %get3A_236] : memref<2x64xf32, #tpu.memory_space<vmem>>, vector<1x64xf32>
    %sub3A_238 = arith.subf %get3A_234, %get3A_237 : vector<1x64xf32>
    %mul3A_239 = vector.broadcast %sub3A_238 : vector<1x64xf32> to vector<128x64xf32>
    %mul3A_240 = vector.broadcast %convert_element_type3A_228 : vector<128x1xf32> to vector<128x64xf32>
    %mul3A_241 = arith.mulf %mul3A_239, %mul3A_240 : vector<128x64xf32>
    %add3A_242 = vector.broadcast %get3A_231 : vector<1x64xf32> to vector<128x64xf32>
    %add3A_243 = arith.addf %add3A_242, %mul3A_241 : vector<128x64xf32>
    %get3A_244 = arith.constant 0 : index
    %get3A_245 = arith.constant 0 : index
    %get3A_246 = vector.load %arg6[%get3A_244, %get3A_245] : memref<128x1xi32, #tpu.memory_space<vmem>>, vector<128x1xi32>
    %iota3A_247 = tpu.iota {dimensions = array<i32: 1>} : vector<128x51xi32>
    %eq3A = vector.broadcast %get3A_246 : vector<128x1xi32> to vector<128x51xi32>
    %eq3A_248 = arith.cmpi eq, %iota3A_247, %eq3A : vector<128x51xi32>
    %convert_element_type3A_249 = arith.extui %eq3A_248 : vector<128x51xi1> to vector<128x51xi32>
    %convert_element_type3A_250 = arith.sitofp %convert_element_type3A_249 : vector<128x51xi32> to vector<128x51xf32>
    %get3A_251 = arith.constant 0 : index
    %get3A_252 = arith.constant 0 : index
    %get3A_253 = vector.load %arg10[%get3A_251, %get3A_252] : memref<51x64xf32, #tpu.memory_space<vmem>>, vector<51x64xf32>
    %dot_general3A_254 = arith.constant dense<0.000000e+00> : vector<128x64xf32>
    %dot_general3A_255 = tpu.matmul %convert_element_type3A_250, %get3A_253, %dot_general3A_254 {dimension_numbers = #tpu.dot_dimension_numbers<[1], [0], [0], [1], [0, 0, 1, 1], [], []>, transpose_lhs_hint = false} : vector<128x51xf32>, vector<51x64xf32>, vector<128x64xf32> -> vector<128x64xf32>
    %concatenate3A = tpu.concatenate %add3A_224, %add3A_243, %dot_general3A_255 in 1 : vector<128x64xf32>, vector<128x64xf32>, vector<128x64xf32> -> vector<128x192xf32>
    %concatenate3A_256 = tpu.concatenate %concatenate3A, %div3A_191 in 1 : vector<128x192xf32>, vector<128x64xf32> -> vector<128x256xf32>
    %concatenate3A_257 = tpu.concatenate %concatenate3A, %div3A_207 in 1 : vector<128x192xf32>, vector<128x64xf32> -> vector<128x256xf32>
    %get3A_258 = arith.constant 0 : index
    %get3A_259 = arith.constant 0 : index
    %get3A_260 = vector.load %arg13[%get3A_258, %get3A_259] : memref<256x64xf32, #tpu.memory_space<vmem>>, vector<256x64xf32>
    %dot_general3A_261 = arith.constant dense<0.000000e+00> : vector<128x64xf32>
    %dot_general3A_262 = tpu.matmul %concatenate3A_256, %get3A_260, %dot_general3A_261 {dimension_numbers = #tpu.dot_dimension_numbers<[1], [0], [0], [1], [0, 0, 1, 1], [], []>, transpose_lhs_hint = false} : vector<128x256xf32>, vector<256x64xf32>, vector<128x64xf32> -> vector<128x64xf32>
    %get3A_263 = arith.constant 0 : index
    %get3A_264 = arith.constant 0 : index
    %get3A_265 = vector.load %arg14[%get3A_263, %get3A_264] : memref<1x64xf32, #tpu.memory_space<vmem>>, vector<1x64xf32>
    %add3A_266 = vector.broadcast %get3A_265 : vector<1x64xf32> to vector<128x64xf32>
    %add3A_267 = arith.addf %dot_general3A_262, %add3A_266 : vector<128x64xf32>
    %max3A_268 = arith.constant 0.000000e+00 : f32
    %max3A_269 = vector.broadcast %max3A_268 : f32 to vector<128x64xf32>
    %max3A_270 = arith.maximumf %add3A_267, %max3A_269 : vector<128x64xf32>
    %get3A_271 = arith.constant 0 : index
    %get3A_272 = arith.constant 0 : index
    %get3A_273 = vector.load %arg13[%get3A_271, %get3A_272] : memref<256x64xf32, #tpu.memory_space<vmem>>, vector<256x64xf32>
    %dot_general3A_274 = arith.constant dense<0.000000e+00> : vector<128x64xf32>
    %dot_general3A_275 = tpu.matmul %concatenate3A_257, %get3A_273, %dot_general3A_274 {dimension_numbers = #tpu.dot_dimension_numbers<[1], [0], [0], [1], [0, 0, 1, 1], [], []>, transpose_lhs_hint = false} : vector<128x256xf32>, vector<256x64xf32>, vector<128x64xf32> -> vector<128x64xf32>
    %get3A_276 = arith.constant 0 : index
    %get3A_277 = arith.constant 0 : index
    %get3A_278 = vector.load %arg14[%get3A_276, %get3A_277] : memref<1x64xf32, #tpu.memory_space<vmem>>, vector<1x64xf32>
    %add3A_279 = vector.broadcast %get3A_278 : vector<1x64xf32> to vector<128x64xf32>
    %add3A_280 = arith.addf %dot_general3A_275, %add3A_279 : vector<128x64xf32>
    %max3A_281 = arith.constant 0.000000e+00 : f32
    %max3A_282 = vector.broadcast %max3A_281 : f32 to vector<128x64xf32>
    %max3A_283 = arith.maximumf %add3A_280, %max3A_282 : vector<128x64xf32>
    %get3A_284 = arith.constant 0 : index
    %get3A_285 = arith.constant 0 : index
    %get3A_286 = vector.load %arg15[%get3A_284, %get3A_285] : memref<64x32xf32, #tpu.memory_space<vmem>>, vector<64x32xf32>
    %dot_general3A_287 = arith.constant dense<0.000000e+00> : vector<128x32xf32>
    %dot_general3A_288 = tpu.matmul %max3A_270, %get3A_286, %dot_general3A_287 {dimension_numbers = #tpu.dot_dimension_numbers<[1], [0], [0], [1], [0, 0, 1, 1], [], []>, transpose_lhs_hint = false} : vector<128x64xf32>, vector<64x32xf32>, vector<128x32xf32> -> vector<128x32xf32>
    %get3A_289 = arith.constant 0 : index
    %get3A_290 = arith.constant 0 : index
    %get3A_291 = vector.load %arg16[%get3A_289, %get3A_290] : memref<1x32xf32, #tpu.memory_space<vmem>>, vector<1x32xf32>
    %add3A_292 = vector.broadcast %get3A_291 : vector<1x32xf32> to vector<128x32xf32>
    %add3A_293 = arith.addf %dot_general3A_288, %add3A_292 : vector<128x32xf32>
    %max3A_294 = arith.constant 0.000000e+00 : f32
    %max3A_295 = vector.broadcast %max3A_294 : f32 to vector<128x32xf32>
    %max3A_296 = arith.maximumf %add3A_293, %max3A_295 : vector<128x32xf32>
    %get3A_297 = arith.constant 0 : index
    %get3A_298 = arith.constant 0 : index
    %get3A_299 = vector.load %arg15[%get3A_297, %get3A_298] : memref<64x32xf32, #tpu.memory_space<vmem>>, vector<64x32xf32>
    %dot_general3A_300 = arith.constant dense<0.000000e+00> : vector<128x32xf32>
    %dot_general3A_301 = tpu.matmul %max3A_283, %get3A_299, %dot_general3A_300 {dimension_numbers = #tpu.dot_dimension_numbers<[1], [0], [0], [1], [0, 0, 1, 1], [], []>, transpose_lhs_hint = false} : vector<128x64xf32>, vector<64x32xf32>, vector<128x32xf32> -> vector<128x32xf32>
    %get3A_302 = arith.constant 0 : index
    %get3A_303 = arith.constant 0 : index
    %get3A_304 = vector.load %arg16[%get3A_302, %get3A_303] : memref<1x32xf32, #tpu.memory_space<vmem>>, vector<1x32xf32>
    %add3A_305 = vector.broadcast %get3A_304 : vector<1x32xf32> to vector<128x32xf32>
    %add3A_306 = arith.addf %dot_general3A_301, %add3A_305 : vector<128x32xf32>
    %max3A_307 = arith.constant 0.000000e+00 : f32
    %max3A_308 = vector.broadcast %max3A_307 : f32 to vector<128x32xf32>
    %max3A_309 = arith.maximumf %add3A_306, %max3A_308 : vector<128x32xf32>
    %get3A_310 = arith.constant 0 : index
    %get3A_311 = arith.constant 0 : index
    %get3A_312 = vector.load %arg8[%get3A_310, %get3A_311] : memref<128x32xf32, #tpu.memory_space<vmem>>, vector<128x32xf32>
    %mul3A_313 = arith.mulf %max3A_296, %get3A_312 : vector<128x32xf32>
    %reduce_sum3A_314 = arith.constant dense<0.000000e+00> : vector<128xf32>
    %reduce_sum3A_315 = vector.multi_reduction <add>, %mul3A_313, %reduce_sum3A_314 [1] : vector<128x32xf32> to vector<128xf32>
    %broadcast_in_dim3A_316 = vector.shape_cast %reduce_sum3A_315 : vector<128xf32> to vector<128x1xf32>
    %mul3A_317 = arith.mulf %max3A_309, %get3A_312 : vector<128x32xf32>
    %reduce_sum3A_318 = arith.constant dense<0.000000e+00> : vector<128xf32>
    %reduce_sum3A_319 = vector.multi_reduction <add>, %mul3A_317, %reduce_sum3A_318 [1] : vector<128x32xf32> to vector<128xf32>
    %broadcast_in_dim3A_320 = vector.shape_cast %reduce_sum3A_319 : vector<128xf32> to vector<128x1xf32>
    %max3A_321 = arith.maximumf %broadcast_in_dim3A_316, %broadcast_in_dim3A_320 : vector<128x1xf32>
    %sub3A_322 = arith.subf %broadcast_in_dim3A_316, %max3A_321 : vector<128x1xf32>
    %exp3A_323 = math.exp %sub3A_322 : vector<128x1xf32>
    %sub3A_324 = arith.subf %broadcast_in_dim3A_320, %max3A_321 : vector<128x1xf32>
    %exp3A_325 = math.exp %sub3A_324 : vector<128x1xf32>
    %mul3A_326 = vector.broadcast %exp3A_323 : vector<128x1xf32> to vector<128x32xf32>
    %mul3A_327 = arith.mulf %max3A_296, %mul3A_326 : vector<128x32xf32>
    %mul3A_328 = vector.broadcast %exp3A_325 : vector<128x1xf32> to vector<128x32xf32>
    %mul3A_329 = arith.mulf %max3A_309, %mul3A_328 : vector<128x32xf32>
    %add3A_330 = arith.addf %mul3A_327, %mul3A_329 : vector<128x32xf32>
    %add3A_331 = arith.addf %exp3A_323, %exp3A_325 : vector<128x1xf32>
    %div3A_332 = vector.broadcast %add3A_331 : vector<128x1xf32> to vector<128x32xf32>
    %div3A_333 = arith.divf %add3A_330, %div3A_332 : vector<128x32xf32>
    %get3A_334 = arith.constant 0 : index
    %get3A_335 = arith.constant 0 : index
    %get3A_336 = vector.load %arg7[%get3A_334, %get3A_335] : memref<4096x32xf32, #tpu.memory_space<vmem>>, vector<4096x32xf32>
    %dot_general3A_337 = arith.constant dense<0.000000e+00> : vector<128x4096xf32>
    %dot_general3A_338 = tpu.matmul %div3A_333, %get3A_336, %dot_general3A_337 {dimension_numbers = #tpu.dot_dimension_numbers<[1], [1], [0], [0], [0, 0, 1, 0], [], []>, transpose_lhs_hint = false} : vector<128x32xf32>, vector<4096x32xf32>, vector<128x4096xf32> -> vector<128x4096xf32>
    %reduce_max3A = arith.constant dense<0xFF800000> : vector<128xf32>
    %reduce_max3A_339 = vector.multi_reduction <maximumf>, %dot_general3A_338, %reduce_max3A [1] : vector<128x4096xf32> to vector<128xf32>
    %broadcast_in_dim3A_340 = vector.shape_cast %reduce_max3A_339 : vector<128xf32> to vector<128x1xf32>
    %sub3A_341 = vector.broadcast %broadcast_in_dim3A_340 : vector<128x1xf32> to vector<128x4096xf32>
    %sub3A_342 = arith.subf %dot_general3A_338, %sub3A_341 : vector<128x4096xf32>
    %exp3A_343 = math.exp %sub3A_342 : vector<128x4096xf32>
    %reduce_sum3A_344 = arith.constant dense<0.000000e+00> : vector<128xf32>
    %reduce_sum3A_345 = vector.multi_reduction <add>, %exp3A_343, %reduce_sum3A_344 [1] : vector<128x4096xf32> to vector<128xf32>
    %broadcast_in_dim3A_346 = vector.shape_cast %reduce_sum3A_345 : vector<128xf32> to vector<128x1xf32>
    %log3A = math.log %broadcast_in_dim3A_346 : vector<128x1xf32>
    %add3A_347 = arith.addf %log3A, %broadcast_in_dim3A_340 : vector<128x1xf32>
    %mul3A_348 = arith.mulf %div3A_333, %get3A_312 : vector<128x32xf32>
    %reduce_sum3A_349 = arith.constant dense<0.000000e+00> : vector<128xf32>
    %reduce_sum3A_350 = vector.multi_reduction <add>, %mul3A_348, %reduce_sum3A_349 [1] : vector<128x32xf32> to vector<128xf32>
    %broadcast_in_dim3A_351 = vector.shape_cast %reduce_sum3A_350 : vector<128xf32> to vector<128x1xf32>
    %sub3A_352 = arith.subf %add3A_347, %broadcast_in_dim3A_351 : vector<128x1xf32>
    %swap3A = arith.constant 0 : index
    %swap3A_353 = arith.constant 0 : index
    %swap3A_354 = vector.load %arg17[%swap3A, %swap3A_353] : memref<128x1xf32, #tpu.memory_space<vmem>>, vector<128x1xf32>
    tpu.vector_store %arg17[%swap3A, %swap3A_353], %sub3A_352 {strides = array<i32>} : memref<128x1xf32, #tpu.memory_space<vmem>>, vector<128x1xf32>,
    return
  }
  func.func @transform_0(%arg0: i32) -> (i32, i32) {
    %c0_i32 = arith.constant 0 : i32
    %c0_i32_0 = arith.constant 0 : i32
    return %arg0, %c0_i32 : i32, i32
  }
  func.func @transform_1(%arg0: i32) -> (i32, i32) {
    %c0_i32 = arith.constant 0 : i32
    %c0_i32_0 = arith.constant 0 : i32
    return %arg0, %c0_i32 : i32, i32
  }
  func.func @transform_2(%arg0: i32) -> (i32, i32) {
    %c0_i32 = arith.constant 0 : i32
    %c0_i32_0 = arith.constant 0 : i32
    return %arg0, %c0_i32 : i32, i32
  }
  func.func @transform_3(%arg0: i32) -> (i32, i32) {
    %c0_i32 = arith.constant 0 : i32
    %c0_i32_0 = arith.constant 0 : i32
    return %arg0, %c0_i32 : i32, i32
  }
  func.func @transform_4(%arg0: i32) -> (i32, i32) {
    %c0_i32 = arith.constant 0 : i32
    %c0_i32_0 = arith.constant 0 : i32
    return %arg0, %c0_i32 : i32, i32
  }
  func.func @transform_5(%arg0: i32) -> (i32, i32) {
    %c0_i32 = arith.constant 0 : i32
    %c0_i32_0 = arith.constant 0 : i32
    return %arg0, %c0_i32 : i32, i32
  }
  func.func @transform_6(%arg0: i32) -> (i32, i32) {
    %c0_i32 = arith.constant 0 : i32
    %c0_i32_0 = arith.constant 0 : i32
    %c0_i32_1 = arith.constant 0 : i32
    return %c0_i32, %c0_i32_0 : i32, i32
  }
  func.func @transform_7(%arg0: i32) -> (i32, i32) {
    %c0_i32 = arith.constant 0 : i32
    %c0_i32_0 = arith.constant 0 : i32
    return %arg0, %c0_i32 : i32, i32
  }
  func.func @transform_8(%arg0: i32) -> (i32, i32) {
    %c0_i32 = arith.constant 0 : i32
    %c0_i32_0 = arith.constant 0 : i32
    %c0_i32_1 = arith.constant 0 : i32
    return %c0_i32, %c0_i32_0 : i32, i32
  }
  func.func @transform_9(%arg0: i32) -> (i32, i32) {
    %c0_i32 = arith.constant 0 : i32
    %c0_i32_0 = arith.constant 0 : i32
    %c0_i32_1 = arith.constant 0 : i32
    return %c0_i32, %c0_i32_0 : i32, i32
  }
  func.func @transform_10(%arg0: i32) -> (i32, i32) {
    %c0_i32 = arith.constant 0 : i32
    %c0_i32_0 = arith.constant 0 : i32
    %c0_i32_1 = arith.constant 0 : i32
    return %c0_i32, %c0_i32_0 : i32, i32
  }
  func.func @transform_11(%arg0: i32) -> (i32, i32) {
    %c0_i32 = arith.constant 0 : i32
    %c0_i32_0 = arith.constant 0 : i32
    %c0_i32_1 = arith.constant 0 : i32
    return %c0_i32, %c0_i32_0 : i32, i32
  }
  func.func @transform_12(%arg0: i32) -> (i32, i32) {
    %c0_i32 = arith.constant 0 : i32
    %c0_i32_0 = arith.constant 0 : i32
    %c0_i32_1 = arith.constant 0 : i32
    return %c0_i32, %c0_i32_0 : i32, i32
  }
  func.func @transform_13(%arg0: i32) -> (i32, i32) {
    %c0_i32 = arith.constant 0 : i32
    %c0_i32_0 = arith.constant 0 : i32
    %c0_i32_1 = arith.constant 0 : i32
    return %c0_i32, %c0_i32_0 : i32, i32
  }
  func.func @transform_14(%arg0: i32) -> (i32, i32) {
    %c0_i32 = arith.constant 0 : i32
    %c0_i32_0 = arith.constant 0 : i32
    %c0_i32_1 = arith.constant 0 : i32
    return %c0_i32, %c0_i32_0 : i32, i32
  }
  func.func @transform_15(%arg0: i32) -> (i32, i32) {
    %c0_i32 = arith.constant 0 : i32
    %c0_i32_0 = arith.constant 0 : i32
    %c0_i32_1 = arith.constant 0 : i32
    return %c0_i32, %c0_i32_0 : i32, i32
  }
  func.func @transform_16(%arg0: i32) -> (i32, i32) {
    %c0_i32 = arith.constant 0 : i32
    %c0_i32_0 = arith.constant 0 : i32
    return %arg0, %c0_i32 : i32, i32
  }
}

</mosaic_0001>

<sc_bundles>
// kernel: kernel.11.cloned.1.call-start
scs
__scs_entry_jumppad:
0x0: {  	(pc) =	sbr.rel $0x88, $3  }
0x1: {  	(tag) =	ssettag $0x0;
	lr =	simm.s32 $0x1  }
0x2: {  	[smem:$0x3F8E] =	sst lr;
	_ =	strace $0xD0000000  }
0x3: {  	_ = 	snop  }
0x4: {  	_ = 	snop  }
0x5: {  	_ = 	snop  }
0x6: {  	_ = 	snop  }
0x7: {  	_ = 	snop  }
__scs_overlays_trampoline_lowered:
0x8: {  	[smem:$0x3F9D] =	sst s0  }
0x9: {  	[smem:$0x3F9E] =	sst s1  }
0xa: {  	[smem:$0x3F9F] =	sst s2  }
0xb: {  	[smem:$0x3FA0] =	sst s3  }
0xc: {  	[smem:$0x3FA1] =	sst s4  }
0xd: {  	[smem:$0x3FA2] =	sst s5  }
0xe: {  	[smem:$0x3FA3] =	sst s6  }
0xf: {  	[smem:$0x3FA4] =	sst s7  }
0x10: {  	[smem:$0x3FA5] =	sst s8  }
0x11: {  	[smem:$0x3FA6] =	sst s9;
	s0 =	simm.s32 @!p0 $0x0  }
0x12: {  	s1 =	sld [smem:$0x3F8C];
	s0 =	simm.s32 @p0 $0x1  }
0x13: {  	[smem:$0x3FA7] =	sst s0;
	s0 =	simm.s32 @!p1 $0x0  }
0x14: {  	s2 =	sld [smem:$0x3F8B];
	s0 =	simm.s32 @p1 $0x1  }
0x15: {  	[smem:$0x3FA8] =	sst s0;
	s0 =	simm.s32 @!p2 $0x0  }
0x16: {  	s3 =	sld [smem:$0x3FDB];
	s0 =	simm.s32 @p2 $0x1  }
0x17: {  	s4 =	simm.s32 $0x1BF5;
	[smem:$0x3FAA] =	sst s0  }
0x18: {  	s0 =	sld [smem:$0x3F8D];
	_ =	swait.ge [sflag:s4], $0x0  }
0x19: {  	s7 =	sld [smem:$0x3F8E]  }
0x1a: {  	s8 =	sadd.s32 $0xFFFFE003, lr  }
0x1b: {  	s9 =	sadd.s32 $0xFFFFFEF7, lr;
	s5 =	simm.s32 $0xFFFFFFFF;
	p2 =	slt.u32 s8, $0xFFFFF086  }
0x1c: {  	p1 =	slt.u32 s9, $0xF7A;
	s5 =	simm.s32 @!p2 $0x0  }
0x1d: {  	s5 =	simm.s32 @p1 $0x1;
	p0 =	seq.s32 s7, s2  }
0x1e: {  	s7 =	smul.u32 @!p0 $0xF7A, s2;
	p2 =	seq.s32 @!p0 s5, $0x0  }
0x1f: {  	s9 =	smul.u32 $0xF7A, s1;
	s8 =	simm.s32 @!p0 $0x1BF5;
	p2 =	por !p2, p0  }
0x20: {  	[sflag:s8] =	ssyncset.s32 @!p0 $0xFFFFF086;
	s6 =	sadd.s32 @!p0 s3, s7;
	s7 =	simm.s32 @!p0 $0x108  }
0x21: {  	s3 =	sadd.s32 s3, s9;
	s6 =	sadd.s32 @!p0 $0x88, s6;
	s7 =	simm.s32 @p2 $0x1082  }
0x22: {  	[simem:s7], [sflag:s8] =	dma.local @!p0 [hbm:s6], $0xF7A  }
0x23: {  	s9 =	sor.u32 $0xD0000000, s2;
	s6 =	simm.s32 $0x108;
	_ =	swait.ge @!p0 [sflag:s8], $0x0  }
0x24: {  	s3 =	sadd.s32 $0x88, s3;
	s6 =	simm.s32 @!p1 $0x1082;
	[sflag:s4] =	ssyncset.s32 $0xFFFFF086  }
0x25: {  	[simem:s6], [sflag:s4] =	dma.local [hbm:s3], $0xF7A  }
0x26: {  	[smem:$0x3F8E] =	sst s1;
	(tag) =	ssettag s2;
	_ =	strace s9  }
0x27: {  	s1 =	sld [smem:$0x3F9E]  }
0x28: {  	s2 =	sld [smem:$0x3F9F]  }
0x29: {  	s4 =	sld [smem:$0x3FA1]  }
0x2a: {  	p0 =	seq.s32 s5, $0x0;
	s5 =	sld [smem:$0x3FA2]  }
0x2b: {  	s6 =	sld [smem:$0x3FA3]  }
0x2c: {  	s7 =	sld [smem:$0x3FA4]  }
0x2d: {  	s3 =	simm.s32 $0x108;
	s8 =	sld [smem:$0x3FA5]  }
0x2e: {  	s3 =	simm.s32 @!p0 $0x1082;
	s9 =	sld [smem:$0x3FA6]  }
0x2f: {  	lr =	sadd.s32 s0, s3;
	s0 =	sld [smem:$0x3F9D]  }
0x30: {  	s3 =	sld [smem:$0x3FA0]  }
0x31: {  	[smem:$0x3FA9] =	sst s10  }
0x32: {  	s10 =	sld [smem:$0x3FA7];
	_ =	sdelay $0x3  }
0x33: {  	p0 =	seq.s32 s10, $0x1;
	s10 =	sld [smem:$0x3FA9];
	_ =	sdelay $0x3  }
0x34: {  	[smem:$0x3FA9] =	sst s10  }
0x35: {  	s10 =	sld [smem:$0x3FA8];
	_ =	sdelay $0x3  }
0x36: {  	p1 =	seq.s32 s10, $0x1;
	s10 =	sld [smem:$0x3FA9];
	_ =	sdelay $0x3  }
0x37: {  	[smem:$0x3FA9] =	sst s10  }
0x38: {  	s10 =	sld [smem:$0x3FAA]  }
0x39: {  	_ = 	snop;
	(pc) =	sbr.ind lr, $3  }
0x3a: {  	_ = 	snop  }
0x3b: {  	_ = 	snop  }
0x3c: {  	p2 =	seq.s32 s10, $0x1;
	s10 =	sld [smem:$0x3FA9]  }
0x3d: {  	_ =	shalt  }
0x3e: {  	_ =	shalt  }
0x3f: {  	_ =	shalt  }
0x40: {  	_ =	shalt  }
0x41: {  	_ =	shalt  }
0x42: {  	_ =	shalt  }
0x43: {  	_ =	shalt  }
0x44: {  	_ =	shalt  }
0x45: {  	_ =	shalt  }
0x46: {  	_ =	shalt  }
0x47: {  	_ =	shalt  }
0x48: {  	_ =	shalt  }
0x49: {  	_ =	shalt  }
0x4a: {  	_ =	shalt  }
0x4b: {  	_ =	shalt  }
0x4c: {  	_ =	shalt  }
0x4d: {  	_ =	shalt  }
0x4e: {  	_ =	shalt  }
0x4f: {  	_ =	shalt  }
0x50: {  	_ =	shalt  }
0x51: {  	_ =	shalt  }
0x52: {  	_ =	shalt  }
0x53: {  	_ =	shalt  }
0x54: {  	_ =	shalt  }
0x55: {  	_ =	shalt  }
0x56: {  	_ =	shalt  }
0x57: {  	_ =	shalt  }
0x58: {  	_ =	shalt  }
0x59: {  	_ =	shalt  }
0x5a: {  	_ =	shalt  }
0x5b: {  	_ =	shalt  }
0x5c: {  	_ =	shalt  }
0x5d: {  	_ =	shalt  }
0x5e: {  	_ =	shalt  }
0x5f: {  	_ =	shalt  }
0x60: {  	_ =	shalt  }
0x61: {  	_ =	shalt  }
0x62: {  	_ =	shalt  }
0x63: {  	_ =	shalt  }
0x64: {  	_ =	shalt  }
0x65: {  	_ =	shalt  }
0x66: {  	_ =	shalt  }
0x67: {  	_ =	shalt  }
0x68: {  	_ =	shalt  }
0x69: {  	_ =	shalt  }
0x6a: {  	_ =	shalt  }
0x6b: {  	_ =	shalt  }
0x6c: {  	_ =	shalt  }
0x6d: {  	_ =	shalt  }
0x6e: {  	_ =	shalt  }
0x6f: {  	_ =	shalt  }
0x70: {  	_ =	shalt  }
0x71: {  	_ =	shalt  }
0x72: {  	_ =	shalt  }
0x73: {  	_ =	shalt  }
0x74: {  	_ =	shalt  }
0x75: {  	_ =	shalt  }
0x76: {  	_ =	shalt  }
0x77: {  	_ =	shalt  }
0x78: {  	_ =	shalt  }
0x79: {  	_ =	shalt  }
0x7a: {  	_ =	shalt  }
0x7b: {  	_ =	shalt  }
0x7c: {  	_ =	shalt  }
0x7d: {  	_ =	shalt  }
0x7e: {  	_ =	shalt  }
0x7f: {  	_ =	shalt  }
0x80: {  	_ =	shalt  }
0x81: {  	_ =	shalt  }
0x82: {  	_ =	shalt  }
0x83: {  	_ =	shalt  }
0x84: {  	_ =	shalt  }
0x85: {  	_ =	shalt  }
0x86: {  	_ =	shalt  }
0x87: {  	_ =	shalt  }
.Lfunc_end0:
.L_simem_size_0:
called_computation.1_lowered:
.L_overlay_start_0:
0x88: {  	s2 =	sld [smem:$0x3FD9]  }
0x89: {  	s3 =	sld [smem:$0x3FFE];
	_ =	sdelay $0x1  }
0x8a: {  	s1 =	srdreg.scid  }
0x8b: {  	s0 =	sand.u32 $0x1, s1  }
0x8c: {  	s17 =	sshll.u32 s0, $0xA;
	s2 =	sadd.s32 s3, s2  }
0x8d: {  	s2 =	sadd.s32 s2, s17  }
0x8e: {  	[smem:$0x3FB5] =	sst s2  }
0x8f: {  	_ = 	snop  }
0x90: {  	(tm) =	ssettm $0x1  }
0x91: {  	s18 =	sld [smem:$0x3FFB];
	_ =	sdelay $0x3  }
0x92: {  	_ =	strace s18  }
0x93: {  	s2 =	sld [smem:$0x3FFC];
	_ =	sdelay $0x3  }
0x94: {  	_ =	strace s2  }
0x95: {  	s2 =	sld [smem:$0x3FFD];
	_ =	sdelay $0x3  }
0x96: {  	_ =	strace s2  }
0x97: {  	_ =	strace $0x8FFFFFFF  }
0x98: {  	s19 =	sld [smem:$0x3FDB];
	_ =	sdelay $0x1  }
0x99: {  	s20 =	simm.s32 $_scs_section_size  }
0x9a: {  	s4 =	simm.s32 $_size__tile_overlayer_lowered;
	s5 =	simm.s32 $_tile_overlayer_lowered  }
0x9b: {  	s6 =	simm.s32 $0x1BFF;
	s21 =	sshll.u32 s5, $0x1;
	s3 =	sadd.s32 s20, s19  }
0x9c: {  	s22 =	simm.s32 $0x0;
	s4 =	sshll.u32 s4, $0x1;
	s5 =	sadd.s32 s21, s3  }
0x9d: {  	[timem:s22], [sflag:s6] =	dma.local [hbm:s5], s4  }
0x9e: {  	_ =	swait.ge [sflag:s6], s4  }
0x9f: {  	s4 =	ssub.s32 $0x0, s4;
	[sflag:s6] =	ssyncset.done $0x0  }
0xa0: {  	[sflag:s6] =	ssyncadd.s32 s4;
	_ =	sdelay $0x1  }
0xa1: {  	s23 =	simm.s32 $0x1B8B  }
0xa2: {  	_ =	swait.ge [sflag:s23], $0x1  }
0xa3: {  	[sflag:s23] =	ssyncset.done $0x0  }
0xa4: {  	[sflag:s23] =	ssyncadd.s32 $0xFFFFFFFF  }
0xa5: {  	s4 =	sld [smem:$0x0]  }
0xa6: {  	s5 =	sand.u32 $0xFFFFFFFE, s1  }
0xa7: {  	p0 =	sne.s32 s1, s5  }
0xa8: {  	s5 =	sshll.u32 @p0 s5, $0xE  }
0xa9: {  	s5 =	sadd.s32 @p0 $0x11B8D, s5;
	s6 =	sshll.u32 @p0 s4, $0x11  }
0xaa: {  	s5 =	sor.u32 @p0 s6, s5  }
0xab: {  	[sflag:s5] =	ssyncadd.remote.s32 @p0 $0x1;
	_ =	sdelay $0x1  }
0xac: {  	s5 =	simm.s32 @p0 $0x1B8D  }
0xad: {  	_ =	swait.eq @p0 [sflag:s5], $0x1  }
0xae: {  	[sflag:s5] =	ssyncadd.s32 @p0 $0xFFFFFFFF  }
0xaf: {  	s6 =	sshll.u32 @!p0 s1, $0xE  }
0xb0: {  	s6 =	sor.u32 @!p0 $0x4000, s6;
	s5 =	simm.s32 @!p0 $0x1B8D  }
0xb1: {  	s4 =	sshll.u32 @!p0 s4, $0x11;
	s6 =	sadd.s32 @!p0 $0x11B8D, s6;
	_ =	swait.eq @!p0 [sflag:s5], $0x1  }
0xb2: {  	s4 =	sor.u32 @!p0 s4, s6;
	[sflag:s5] =	ssyncadd.s32 @!p0 $0xFFFFFFFF  }
0xb3: {  	s25 =	simm.s32 $0x1B8E;
	s24 =	sld [smem:$0x3FFE];
	[sflag:s4] =	ssyncadd.remote.s32 @!p0 $0x1  }
0xb4: {  	s26 =	simm.s32 $execute0_lowered;
	[smem:$0x3FD2] =	sst s25  }
0xb5: {  	s5 =	sshll.u32 s26, $0x1;
	_ =	strace $0x80000049;
	[dreg:$0x1] =	wrdreg $0xFFFFFFFF  }
0xb6: {  	s28 =	simm.s32 $_size_execute0_lowered;
	s3 =	sadd.s32 s3, s5;
	[dreg:$0x0] =	wrdreg $0x0  }
0xb7: {  	s5 =	sshll.u32 s28, $0x1;
	[dreg:$0x2] =	wrdreg s3  }
0xb8: {  	[dreg:$0x3] =	wrdreg s5  }
0xb9: {  	[dreg:$0x4] =	wrdreg $0xC0  }
0xba: {  	_ =	task [dreg:s22], $0x5FFFF  }
0xbb: {  	[dreg:$0x1] =	wrdreg $0xFFFFFFFF  }
0xbc: {  	[dreg:$0x0] =	wrdreg $0x60  }
0xbd: {  	[dreg:$0x2] =	wrdreg s24  }
0xbe: {  	[dreg:$0x3] =	wrdreg $0xA  }
0xbf: {  	_ =	task.clear_ibuf [dreg:s22], $0x4FFFF;
	_ =	strace $0x90000049  }
0xc0: {  	s29 =	simm.s32 $0xA;
	_ =	strace $0x8000004B  }
0xc1: {  	_ =	swait.ge [sflag:s29], $0x1  }
0xc2: {  	[sflag:s29] =	ssyncadd.s32 $0xFFFFFFFF  }
0xc3: {  	_ =	strace $0x9000004B  }
0xc4: {  	_ =	sfence  }
0xc5: {  	s30 =	sld [smem:$0x0];
	_ =	sdelay $0x2  }
0xc6: {  	s31 =	sshll.u32 s1, $0xD;
	s1 =	sshrl.u32 s1, $0x2  }
0xc7: {  	s4 =	sand.u32 $0x4000, s31;
	s1 =	sadd.s32 s1, s30  }
0xc8: {  	s0 =	sor.u32 s4, s0;
	s1 =	sshll.u32 s1, $0x11  }
0xc9: {  	s0 =	sor.u32 s1, s0  }
0xca: {  	s0 =	sadd.s32 $0x8F2B, s0  }
0xcb: {  	[sflag:s0] =	ssyncadd.remote.s32 $0x1  }
0xcc: {  	_ =	sfence.sel $0xFFFF  }
0xcd: {  	[dreg:$0x0] =	wrdreg $0xFFFFFFFF;
	(pc) =	sbr.abs _section_cstart, $3  }
0xce: {  	[dreg:$0x1] =	wrdreg $0xFFFFFFFF  }
0xcf: {  	_ =	task.clear_ibuf [dreg:s22], $0x2FFFF;
	_ =	strace $0x9FFFFFFF  }
0xd0: {  	(tm) =	ssettm $0x7FFFFFFF  }
0xd1: {  	_ =	shalt  }
tec
execute0_lowered:
.L_overlay_start_1:
0x0: {  	(tag) =	ssettag $0x1  }
0x1: {  	s1 =	srdreg.scid  }
0x2: {  	s0 =	stileid.u32;
	s6 =	sand.u32 $0x1, s1  }
0x3: {  	s8 =	rddreg [dreg:$0x0];
	s30 =	sshll.u32 s0, $0x8;
	s2 =	sshll.u32 s6, $0x7  }
0x4: {  	s7 =	simm.s32 $0x1;
	s1 =	rddreg [dreg:$0x1];
	s9 =	sor.u32 s2, s30  }
0x5: {  	s5 =	sadd.s32 $0xB08C00, s8;
	s2 =	simm.s32 $0x0;
	s3 =	sshrl.u32 s9, $0x3  }
0x6: {  	s10 =	ssub.s32 $0x2, s6;
	[smem:$0x7FF] =	sst s2;
	s3 =	sadd.s32 s3, s8  }
0x7: {  	_ =	strace $0x8000004A;
	s4 =	sadd.s32 $0x12C8C00, s3;
	s3 =	simm.s32 $0x2  }
0x8: {  	[tilespmem:s2], [sflag:$0x2] =	stream.linear.gather [hbm4b:s4+s2], $0x80, $0x38;
	[tilespmem:$0x4080] =	vst v63  }
0x9: {  	s6 =	simm.s32 $0x80;
	s11 =	sshrl.u32 s10, $0x1;
	_ =	swait.ge [sflag:s3], $0x80  }
0xa: {  	s9 =	sshll.u32 s9, $0x4;
	s31 =	ssub.s32 s10, s11;
	[sflag:s3] =	ssyncset.done $0x0  }
0xb: {  	s8 =	sadd.s32 s9, s8;
	s9 =	smax.u32 s31, $0x1;
	[sflag:s3] =	ssyncadd.s32 $0xFFFFFF80  }
0xc: {  	[tilespmem:s6], [sflag:$0x1] =	stream.indirect.gather [hbm4b:s5+s6], $0x80, s2, s6, $0xb8;
	[tilespmem:$0x4080] =	vst v63  }
0xd: {  	p0 =	sne.s32 s9, $0x1;
	_ =	swait.ge [sflag:s7], $0x4000  }
.Ltmp0:
0xe: {  	[sflag:s7] =	ssyncset.done $0x0;
	(pc) =	sbr.rel @!p0 .LBB2_2-.Ltmp0, $4  }
0xf: {  	s8 =	sadd.s32 $0x12C8E00, s8;
	[sflag:s7] =	ssyncadd.s32 $0xFFFFC000  }
0x10: {  	[hbm4b:s8+s2] =	stream.linear.scatter [tilespmem:s6], [sflag:$0x2], $0x4000, $0x38;
	[tilespmem:$0x4080] =	vst v63  }
0x11: {  	_ =	swait.ge [sflag:s3], $0x4000  }
0x12: {  	s9 =	sadd.s32 $0xFFFFFFFF, s9;
	[sflag:s3] =	ssyncset.done $0x0  }
.LBB2_1:
0x13: {  	p0 =	sne.s32 s9, $0x1;
	s9 =	sadd.s32 $0xFFFFFFFF, s9;
	[sflag:s3] =	ssyncadd.s32 $0xFFFFC000  }
0x14: {  	[tilespmem:s2], [sflag:$0x2] =	stream.linear.gather [hbm4b:s4+s2], $0x80, $0x38;
	[tilespmem:$0x4080] =	vst v63  }
0x15: {  	_ =	swait.ge [sflag:s3], $0x80  }
0x16: {  	[sflag:s3] =	ssyncset.done $0x0  }
0x17: {  	[sflag:s3] =	ssyncadd.s32 $0xFFFFFF80  }
0x18: {  	[tilespmem:s6], [sflag:$0x1] =	stream.indirect.gather [hbm4b:s5+s6], $0x80, s2, s6, $0xb8;
	[tilespmem:$0x4080] =	vst v63  }
0x19: {  	_ =	swait.ge [sflag:s7], $0x4000  }
.Ltmp1:
0x1a: {  	[sflag:s7] =	ssyncset.done $0x0;
	(pc) =	sbr.rel @p0 .LBB2_1-.Ltmp1, $4  }
0x1b: {  	[sflag:s7] =	ssyncadd.s32 $0xFFFFC000  }
0x1c: {  	[hbm4b:s8+s2] =	stream.linear.scatter [tilespmem:s6], [sflag:$0x2], $0x4000, $0x38;
	[tilespmem:$0x4080] =	vst v63  }
0x1d: {  	_ =	swait.ge [sflag:s3], $0x4000  }
0x1e: {  	[sflag:s3] =	ssyncset.done $0x0  }
.LBB2_2:
0x1f: {  	[sflag:s3] =	ssyncadd.s32 $0xFFFFC000  }
0x20: {  	_ =	sfence.sel $0x180000  }
0x21: {  	[bflag:$0x0] =	sbarrier.arrive $0xFFFF  }
0x22: {  	p0 =	sne.s32 s0, $0x0;
	_ =	strace $0x9000004A  }
0x23: {  	s0 =	sadd.s32 @!p0 $0x100000, s1;
	[bflag:$0x2] =	sbarrier.arrive $0xFFFF  }
0x24: {  	[sflag:s0] =	ssyncadd.tile.s32 @!p0 $0x1;
	_ =	shalt  }
.Lfunc_end2:
_tile_overlayer_lowered:
.L_overlay_start_2:
0x25: {  	(tag) =	ssettag $0x2  }
0x26: {  	s0 =	rddreg [dreg:$0x0];
	s2 =	stileid.u32  }
0x27: {  	s1 =	rddreg [dreg:$0x1];
	p0 =	sne.s32 s2, $0x0  }
0x28: {  	s3 =	rddreg [dreg:$0x2];
	[bflag:$0x3] =	sbarrier.arrive $0xFFFF;
	s2 =	simm.s32 @!p0 $0x1C02  }
0x29: {  	[timem:s3], [sflag:s2] =	dma.local @!p0 [hbm:s0], s1  }
0x2a: {  	s0 =	simm.s32 @!p0 $0x2  }
0x2b: {  	_ =	swait.ge @!p0 [sflag:s0], s1  }
0x2c: {  	s1 =	ssub.s32 @!p0 $0x0, s1;
	[sflag:s0] =	ssyncset.done @!p0 $0x0  }
0x2d: {  	[sflag:s0] =	ssyncadd.s32 @!p0 s1  }
0x2e: {  	[bflag:$0x3] =	sbarrier.arrive $0xFFFF  }
0x2f: {  	_ =	shalt  }

// kernel: kernel.8.cloned.1.call-start
scs
__scs_entry_jumppad:
0x0: {  	(pc) =	sbr.rel $0x88, $3  }
0x1: {  	(tag) =	ssettag $0x0;
	lr =	simm.s32 $0x1  }
0x2: {  	[smem:$0x3F8E] =	sst lr;
	_ =	strace $0xD0000000  }
0x3: {  	_ = 	snop  }
0x4: {  	_ = 	snop  }
0x5: {  	_ = 	snop  }
0x6: {  	_ = 	snop  }
0x7: {  	_ = 	snop  }
__scs_overlays_trampoline_lowered:
0x8: {  	[smem:$0x3F9D] =	sst s0  }
0x9: {  	[smem:$0x3F9E] =	sst s1  }
0xa: {  	[smem:$0x3F9F] =	sst s2  }
0xb: {  	[smem:$0x3FA0] =	sst s3  }
0xc: {  	[smem:$0x3FA1] =	sst s4  }
0xd: {  	[smem:$0x3FA2] =	sst s5  }
0xe: {  	[smem:$0x3FA3] =	sst s6  }
0xf: {  	[smem:$0x3FA4] =	sst s7  }
0x10: {  	[smem:$0x3FA5] =	sst s8  }
0x11: {  	[smem:$0x3FA6] =	sst s9;
	s0 =	simm.s32 @!p0 $0x0  }
0x12: {  	s1 =	sld [smem:$0x3F8C];
	s0 =	simm.s32 @p0 $0x1  }
0x13: {  	[smem:$0x3FA7] =	sst s0;
	s0 =	simm.s32 @!p1 $0x0  }
0x14: {  	s2 =	sld [smem:$0x3F8B];
	s0 =	simm.s32 @p1 $0x1  }
0x15: {  	[smem:$0x3FA8] =	sst s0;
	s0 =	simm.s32 @!p2 $0x0  }
0x16: {  	s3 =	sld [smem:$0x3FDB];
	s0 =	simm.s32 @p2 $0x1  }
0x17: {  	s4 =	simm.s32 $0x1BF5;
	[smem:$0x3FAA] =	sst s0  }
0x18: {  	s0 =	sld [smem:$0x3F8D];
	_ =	swait.ge [sflag:s4], $0x0  }
0x19: {  	s7 =	sld [smem:$0x3F8E]  }
0x1a: {  	s8 =	sadd.s32 $0xFFFFE003, lr  }
0x1b: {  	s9 =	sadd.s32 $0xFFFFFEF7, lr;
	s5 =	simm.s32 $0xFFFFFFFF;
	p2 =	slt.u32 s8, $0xFFFFF086  }
0x1c: {  	p1 =	slt.u32 s9, $0xF7A;
	s5 =	simm.s32 @!p2 $0x0  }
0x1d: {  	s5 =	simm.s32 @p1 $0x1;
	p0 =	seq.s32 s7, s2  }
0x1e: {  	s7 =	smul.u32 @!p0 $0xF7A, s2;
	p2 =	seq.s32 @!p0 s5, $0x0  }
0x1f: {  	s9 =	smul.u32 $0xF7A, s1;
	s8 =	simm.s32 @!p0 $0x1BF5;
	p2 =	por !p2, p0  }
0x20: {  	[sflag:s8] =	ssyncset.s32 @!p0 $0xFFFFF086;
	s6 =	sadd.s32 @!p0 s3, s7;
	s7 =	simm.s32 @!p0 $0x108  }
0x21: {  	s3 =	sadd.s32 s3, s9;
	s6 =	sadd.s32 @!p0 $0x88, s6;
	s7 =	simm.s32 @p2 $0x1082  }
0x22: {  	[simem:s7], [sflag:s8] =	dma.local @!p0 [hbm:s6], $0xF7A  }
0x23: {  	s9 =	sor.u32 $0xD0000000, s2;
	s6 =	simm.s32 $0x108;
	_ =	swait.ge @!p0 [sflag:s8], $0x0  }
0x24: {  	s3 =	sadd.s32 $0x88, s3;
	s6 =	simm.s32 @!p1 $0x1082;
	[sflag:s4] =	ssyncset.s32 $0xFFFFF086  }
0x25: {  	[simem:s6], [sflag:s4] =	dma.local [hbm:s3], $0xF7A  }
0x26: {  	[smem:$0x3F8E] =	sst s1;
	(tag) =	ssettag s2;
	_ =	strace s9  }
0x27: {  	s1 =	sld [smem:$0x3F9E]  }
0x28: {  	s2 =	sld [smem:$0x3F9F]  }
0x29: {  	s4 =	sld [smem:$0x3FA1]  }
0x2a: {  	p0 =	seq.s32 s5, $0x0;
	s5 =	sld [smem:$0x3FA2]  }
0x2b: {  	s6 =	sld [smem:$0x3FA3]  }
0x2c: {  	s7 =	sld [smem:$0x3FA4]  }
0x2d: {  	s3 =	simm.s32 $0x108;
	s8 =	sld [smem:$0x3FA5]  }
0x2e: {  	s3 =	simm.s32 @!p0 $0x1082;
	s9 =	sld [smem:$0x3FA6]  }
0x2f: {  	lr =	sadd.s32 s0, s3;
	s0 =	sld [smem:$0x3F9D]  }
0x30: {  	s3 =	sld [smem:$0x3FA0]  }
0x31: {  	[smem:$0x3FA9] =	sst s10  }
0x32: {  	s10 =	sld [smem:$0x3FA7];
	_ =	sdelay $0x3  }
0x33: {  	p0 =	seq.s32 s10, $0x1;
	s10 =	sld [smem:$0x3FA9];
	_ =	sdelay $0x3  }
0x34: {  	[smem:$0x3FA9] =	sst s10  }
0x35: {  	s10 =	sld [smem:$0x3FA8];
	_ =	sdelay $0x3  }
0x36: {  	p1 =	seq.s32 s10, $0x1;
	s10 =	sld [smem:$0x3FA9];
	_ =	sdelay $0x3  }
0x37: {  	[smem:$0x3FA9] =	sst s10  }
0x38: {  	s10 =	sld [smem:$0x3FAA]  }
0x39: {  	_ = 	snop;
	(pc) =	sbr.ind lr, $3  }
0x3a: {  	_ = 	snop  }
0x3b: {  	_ = 	snop  }
0x3c: {  	p2 =	seq.s32 s10, $0x1;
	s10 =	sld [smem:$0x3FA9]  }
0x3d: {  	_ =	shalt  }
0x3e: {  	_ =	shalt  }
0x3f: {  	_ =	shalt  }
0x40: {  	_ =	shalt  }
0x41: {  	_ =	shalt  }
0x42: {  	_ =	shalt  }
0x43: {  	_ =	shalt  }
0x44: {  	_ =	shalt  }
0x45: {  	_ =	shalt  }
0x46: {  	_ =	shalt  }
0x47: {  	_ =	shalt  }
0x48: {  	_ =	shalt  }
0x49: {  	_ =	shalt  }
0x4a: {  	_ =	shalt  }
0x4b: {  	_ =	shalt  }
0x4c: {  	_ =	shalt  }
0x4d: {  	_ =	shalt  }
0x4e: {  	_ =	shalt  }
0x4f: {  	_ =	shalt  }
0x50: {  	_ =	shalt  }
0x51: {  	_ =	shalt  }
0x52: {  	_ =	shalt  }
0x53: {  	_ =	shalt  }
0x54: {  	_ =	shalt  }
0x55: {  	_ =	shalt  }
0x56: {  	_ =	shalt  }
0x57: {  	_ =	shalt  }
0x58: {  	_ =	shalt  }
0x59: {  	_ =	shalt  }
0x5a: {  	_ =	shalt  }
0x5b: {  	_ =	shalt  }
0x5c: {  	_ =	shalt  }
0x5d: {  	_ =	shalt  }
0x5e: {  	_ =	shalt  }
0x5f: {  	_ =	shalt  }
0x60: {  	_ =	shalt  }
0x61: {  	_ =	shalt  }
0x62: {  	_ =	shalt  }
0x63: {  	_ =	shalt  }
0x64: {  	_ =	shalt  }
0x65: {  	_ =	shalt  }
0x66: {  	_ =	shalt  }
0x67: {  	_ =	shalt  }
0x68: {  	_ =	shalt  }
0x69: {  	_ =	shalt  }
0x6a: {  	_ =	shalt  }
0x6b: {  	_ =	shalt  }
0x6c: {  	_ =	shalt  }
0x6d: {  	_ =	shalt  }
0x6e: {  	_ =	shalt  }
0x6f: {  	_ =	shalt  }
0x70: {  	_ =	shalt  }
0x71: {  	_ =	shalt  }
0x72: {  	_ =	shalt  }
0x73: {  	_ =	shalt  }
0x74: {  	_ =	shalt  }
0x75: {  	_ =	shalt  }
0x76: {  	_ =	shalt  }
0x77: {  	_ =	shalt  }
0x78: {  	_ =	shalt  }
0x79: {  	_ =	shalt  }
0x7a: {  	_ =	shalt  }
0x7b: {  	_ =	shalt  }
0x7c: {  	_ =	shalt  }
0x7d: {  	_ =	shalt  }
0x7e: {  	_ =	shalt  }
0x7f: {  	_ =	shalt  }
0x80: {  	_ =	shalt  }
0x81: {  	_ =	shalt  }
0x82: {  	_ =	shalt  }
0x83: {  	_ =	shalt  }
0x84: {  	_ =	shalt  }
0x85: {  	_ =	shalt  }
0x86: {  	_ =	shalt  }
0x87: {  	_ =	shalt  }
.Lfunc_end0:
.L_simem_size_0:
called_computation_lowered:
.L_overlay_start_0:
0x88: {  	s2 =	sld [smem:$0x3FD9]  }
0x89: {  	s3 =	sld [smem:$0x3FFE];
	_ =	sdelay $0x1  }
0x8a: {  	s1 =	srdreg.scid  }
0x8b: {  	s0 =	sand.u32 $0x1, s1  }
0x8c: {  	s17 =	sshll.u32 s0, $0xA;
	s2 =	sadd.s32 s3, s2  }
0x8d: {  	s2 =	sadd.s32 s2, s17  }
0x8e: {  	[smem:$0x3FB5] =	sst s2  }
0x8f: {  	_ = 	snop  }
0x90: {  	s2 =	sld [smem:$0x3FD0];
	(tm) =	ssettm $0x1  }
0x91: {  	s18 =	sld [smem:$0x3FFB];
	_ =	sdelay $0x3  }
0x92: {  	_ =	strace s18  }
0x93: {  	s3 =	sld [smem:$0x3FFC];
	_ =	sdelay $0x3  }
0x94: {  	_ =	strace s3  }
0x95: {  	s3 =	sld [smem:$0x3FFD];
	_ =	sdelay $0x3  }
0x96: {  	_ =	strace s3  }
0x97: {  	_ =	strace $0x8FFFFFFF  }
0x98: {  	s19 =	sld [smem:$0x3FDB];
	_ =	sdelay $0x1  }
0x99: {  	s4 =	simm.s32 $_scs_section_size  }
0x9a: {  	s5 =	simm.s32 $_size__tile_overlayer_lowered;
	s6 =	simm.s32 $_tile_overlayer_lowered  }
0x9b: {  	s22 =	simm.s32 $0x1BFF;
	s21 =	sshll.u32 s6, $0x1;
	s3 =	sadd.s32 s4, s19  }
0x9c: {  	s7 =	simm.s32 $0x0;
	s20 =	sshll.u32 s5, $0x1;
	s5 =	sadd.s32 s21, s3  }
0x9d: {  	[timem:s7], [sflag:s22] =	dma.local [hbm:s5], s20  }
0x9e: {  	_ =	swait.ge [sflag:s22], s20  }
0x9f: {  	s4 =	ssub.s32 $0x0, s20;
	[sflag:s22] =	ssyncset.done $0x0  }
0xa0: {  	[sflag:s22] =	ssyncadd.s32 s4;
	_ =	sdelay $0x1  }
0xa1: {  	s23 =	simm.s32 $0x1B8B  }
0xa2: {  	_ =	swait.ge [sflag:s23], $0x1  }
0xa3: {  	[sflag:s23] =	ssyncset.done $0x0  }
0xa4: {  	s25 =	simm.s32 $0x1B8E;
	s24 =	sld [smem:$0x3FFE];
	[sflag:s23] =	ssyncadd.s32 $0xFFFFFFFF  }
0xa5: {  	s26 =	simm.s32 $execute0_lowered;
	[smem:$0x3FD2] =	sst s25  }
0xa6: {  	s5 =	sshll.u32 s26, $0x1;
	_ =	strace $0x80000046;
	[dreg:$0x1] =	wrdreg $0xFFFFFFFF  }
0xa7: {  	s28 =	simm.s32 $_size_execute0_lowered;
	s3 =	sadd.s32 s3, s5;
	[dreg:$0x0] =	wrdreg $0x0  }
0xa8: {  	s5 =	sshll.u32 s28, $0x1;
	[dreg:$0x2] =	wrdreg s3  }
0xa9: {  	[dreg:$0x3] =	wrdreg s5  }
0xaa: {  	[dreg:$0x4] =	wrdreg $0xC0  }
0xab: {  	_ =	task [dreg:s7], $0x5FFFF  }
0xac: {  	[dreg:$0x1] =	wrdreg $0xFFFFFFFF  }
0xad: {  	[dreg:$0x0] =	wrdreg $0x60  }
0xae: {  	[dreg:$0x2] =	wrdreg s24  }
0xaf: {  	[dreg:$0x3] =	wrdreg s2  }
0xb0: {  	[dreg:$0x4] =	wrdreg $0x9  }
0xb1: {  	_ =	task.clear_ibuf [dreg:s7], $0x5FFFF;
	_ =	strace $0x90000046  }
0xb2: {  	s29 =	simm.s32 $0x9;
	_ =	strace $0x80000048  }
0xb3: {  	_ =	swait.ge [sflag:s29], $0x1  }
0xb4: {  	[sflag:s29] =	ssyncadd.s32 $0xFFFFFFFF  }
0xb5: {  	_ =	strace $0x90000048  }
0xb6: {  	_ =	sfence  }
0xb7: {  	s30 =	sld [smem:$0x0];
	_ =	sdelay $0x2  }
0xb8: {  	s31 =	sshll.u32 s1, $0xD;
	s1 =	sshrl.u32 s1, $0x2  }
0xb9: {  	s3 =	sand.u32 $0x4000, s31;
	s1 =	sadd.s32 s1, s30  }
0xba: {  	s0 =	sor.u32 s3, s0;
	s1 =	sshll.u32 s1, $0x11  }
0xbb: {  	s0 =	sor.u32 s1, s0  }
0xbc: {  	s0 =	sadd.s32 $0x8F2B, s0  }
0xbd: {  	[sflag:s0] =	ssyncadd.remote.s32 $0x1  }
0xbe: {  	_ =	sfence.sel $0xFFFF  }
0xbf: {  	[dreg:$0x0] =	wrdreg $0xFFFFFFFF;
	(pc) =	sbr.abs _section_cstart, $3  }
0xc0: {  	[dreg:$0x1] =	wrdreg $0xFFFFFFFF  }
0xc1: {  	_ =	task.clear_ibuf [dreg:s7], $0x2FFFF;
	_ =	strace $0x9FFFFFFF  }
0xc2: {  	(tm) =	ssettm $0x7FFFFFFF  }
0xc3: {  	_ =	shalt  }
tec
execute0_lowered:
.L_overlay_start_1:
0x0: {  	(tag) =	ssettag $0x1  }
0x1: {  	s1 =	srdreg.scid;
	s4 =	rddreg [dreg:$0x0]  }
0x2: {  	s0 =	stileid.u32;
	s6 =	rddreg [dreg:$0x1];
	s2 =	simm.s32 $0x0  }
0x3: {  	s5 =	sand.u32 $0x1, s1;
	s3 =	smul.u32 $0x3200, s0;
	s1 =	rddreg [dreg:$0x2]  }
0x4: {  	s14 =	simm.s32 $0x0;
	[smem:$0x7FF] =	sst s2;
	s29 =	smul.u32 $0x32000, s0  }
0x5: {  	s9 =	sshll.u32 s0, $0x1;
	s7 =	smul.u32 $0x1900, s5;
	_ =	strace $0x80000047  }
0x6: {  	s9 =	sor.u32 s5, s9;
	s10 =	ssub.s32 $0x2, s5;
	s13 =	smul.u32 $0x19000, s5  }
0x7: {  	s11 =	sshll.u32 s9, $0xB;
	s12 =	sshrl.u32 s10, $0x1;
	s31 =	sshll.u32 s9, $0x4  }
0x8: {  	s9 =	simm.s32 $0x2;
	s3 =	sadd.s32 s7, s3;
	s7 =	sadd.s32 s29, s4  }
0x9: {  	s30 =	sadd.s32 s11, s4;
	s10 =	ssub.s32 s10, s12;
	s11 =	simm.s32 $0x1  }
0xa: {  	s12 =	simm.s32 $0x4080;
	s3 =	sshrl.u32 s3, $0x3;
	s5 =	sadd.s32 $0x7D8C00, s30  }
0xb: {  	s7 =	sadd.s32 s13, s7;
	s13 =	simm.s32 $0x4100;
	s8 =	sadd.s32 s3, s4  }
0xc: {  	s3 =	sadd.s32 $0x18C00, s4;
	s4 =	sadd.s32 s6, s31;
	s6 =	smax.u32 s10, $0x1  }
0xd: {  	s7 =	sadd.s32 $0x7E8C00, s7;
	s10 =	simm.s32 $0x80;
	s8 =	sadd.s32 $0x12800, s8  }
.LBB2_1:
0xe: {  	s15 =	sadd.s32 $0x0, s8  }
0xf: {  	[tilespmem:s2], [sflag:$0x2] =	stream.linear.gather [hbm4b:s15+s2], $0x80, $0x38;
	[tilespmem:$0x8100] =	vst v63  }
0x10: {  	_ =	swait.ge [sflag:s9], $0x80  }
0x11: {  	[sflag:s9] =	ssyncset.done $0x0  }
0x12: {  	[sflag:s9] =	ssyncadd.s32 $0xFFFFFF80  }
0x13: {  	[tilespmem:s10], [sflag:$0x1] =	stream.indirect.gather [hbm4b:s3+s10], $0x80, s2, s10, $0xb8;
	[tilespmem:$0x8100] =	vst v63  }
0x14: {  	_ =	swait.ge [sflag:s11], $0x4000  }
0x15: {  	[sflag:s11] =	ssyncset.done $0x0  }
0x16: {  	[sflag:s11] =	ssyncadd.s32 $0xFFFFC000  }
0x17: {  	[hbm4b:s7+s2] =	stream.linear.scatter [tilespmem:s10], [sflag:$0x2], $0x4000, $0x38;
	[tilespmem:$0x8100] =	vst v63  }
0x18: {  	s16 =	simm.s32 $0x10;
	_ =	swait.ge [sflag:s9], $0x4000  }
0x19: {  	s17 =	simm.s32 $0x20;
	s15 =	sadd.s32 $0x800, s7;
	[sflag:s9] =	ssyncset.done $0x0  }
.LBB2_2:
0x1a: {  	s18 =	sadd.s32 s16, s8  }
0x1b: {  	[sflag:s9] =	ssyncadd.s32 $0xFFFFC000;
	s16 =	smov.u32 s17;
	s19 =	sadd.s32 $0x10, s17  }
0x1c: {  	[tilespmem:s2], [sflag:$0x2] =	stream.linear.gather [hbm4b:s18+s2], $0x80, $0x38;
	[tilespmem:$0x8100] =	vst v63  }
0x1d: {  	p0 =	sne.s32 s17, $0x310;
	_ =	swait.ge [sflag:s9], $0x80  }
0x1e: {  	[sflag:s9] =	ssyncset.done $0x0  }
0x1f: {  	[sflag:s9] =	ssyncadd.s32 $0xFFFFFF80  }
0x20: {  	[tilespmem:s10], [sflag:$0x1] =	stream.indirect.gather [hbm4b:s3+s10], $0x80, s2, s10, $0xb8;
	[tilespmem:$0x8100] =	vst v63  }
0x21: {  	_ =	swait.ge [sflag:s11], $0x4000  }
.Ltmp0:
0x22: {  	[sflag:s11] =	ssyncset.done $0x0;
	(pc) =	sbr.rel @p0 .LBB2_2-.Ltmp0, $4  }
0x23: {  	[sflag:s11] =	ssyncadd.s32 $0xFFFFC000  }
0x24: {  	[hbm4b:s15+s2] =	stream.linear.scatter [tilespmem:s10], [sflag:$0x2], $0x4000, $0x38;
	[tilespmem:$0x8100] =	vst v63  }
0x25: {  	_ =	swait.ge [sflag:s9], $0x4000  }
0x26: {  	s17 =	smov.u32 s19;
	s15 =	sadd.s32 $0x800, s15;
	[sflag:s9] =	ssyncset.done $0x0  }
0x27: {  	s16 =	sadd.s32 s16, s8;
	[sflag:s9] =	ssyncadd.s32 $0xFFFFC000  }
0x28: {  	[tilespmem:s2], [sflag:$0x2] =	stream.linear.gather [hbm4b:s16+s2], $0x80, $0x38;
	[tilespmem:$0x8100] =	vst v63  }
0x29: {  	_ =	swait.ge [sflag:s9], $0x80  }
0x2a: {  	[sflag:s9] =	ssyncset.done $0x0  }
0x2b: {  	[sflag:s9] =	ssyncadd.s32 $0xFFFFFF80  }
0x2c: {  	[tilespmem:s10], [sflag:$0x1] =	stream.indirect.gather [hbm4b:s3+s10], $0x80, s2, s10, $0xb8;
	[tilespmem:$0x8100] =	vst v63  }
0x2d: {  	_ =	swait.ge [sflag:s11], $0x4000  }
0x2e: {  	[sflag:s11] =	ssyncset.done $0x0  }
0x2f: {  	[sflag:s11] =	ssyncadd.s32 $0xFFFFC000  }
0x30: {  	[hbm4b:s15+s2] =	stream.linear.scatter [tilespmem:s10], [sflag:$0x2], $0x4000, $0x38;
	[tilespmem:$0x8100] =	vst v63  }
0x31: {  	_ =	swait.ge [sflag:s9], $0x4000  }
0x32: {  	[sflag:s9] =	ssyncset.done $0x0  }
0x33: {  	[sflag:s9] =	ssyncadd.s32 $0xFFFFC000  }
0x34: {  	[tilespmem:s12], [sflag:$0x2] =	stream.linear.gather [hbm4b:s4+s2], $0x80, $0x38;
	[tilespmem:$0x8100] =	vst v63  }
0x35: {  	_ =	swait.ge [sflag:s9], $0x80  }
0x36: {  	[sflag:s9] =	ssyncset.done $0x0  }
0x37: {  	[sflag:s9] =	ssyncadd.s32 $0xFFFFFF80  }
0x38: {  	[tilespmem:s13], [sflag:$0x1] =	stream.indirect.gather [hbm4b:s3+s10], $0x80, s12, s10, $0xb8;
	[tilespmem:$0x8100] =	vst v63  }
0x39: {  	s14 =	sadd.s32 $0x1, s14;
	_ =	swait.ge [sflag:s11], $0x4000  }
0x3a: {  	p0 =	sne.s32 s14, s6;
	[sflag:s11] =	ssyncset.done $0x0  }
.Ltmp1:
0x3b: {  	[sflag:s11] =	ssyncadd.s32 $0xFFFFC000;
	(pc) =	sbr.rel @p0 .LBB2_1-.Ltmp1, $4  }
0x3c: {  	[hbm4b:s5+s2] =	stream.linear.scatter [tilespmem:s13], [sflag:$0x2], $0x4000, $0x38;
	[tilespmem:$0x8100] =	vst v63  }
0x3d: {  	_ =	swait.ge [sflag:s9], $0x4000  }
0x3e: {  	[sflag:s9] =	ssyncset.done $0x0  }
0x3f: {  	[sflag:s9] =	ssyncadd.s32 $0xFFFFC000  }
0x40: {  	_ =	sfence.sel $0x180000  }
0x41: {  	[bflag:$0x0] =	sbarrier.arrive $0xFFFF  }
0x42: {  	p0 =	sne.s32 s0, $0x0;
	_ =	strace $0x90000047  }
0x43: {  	s0 =	sadd.s32 @!p0 $0x100000, s1;
	[bflag:$0x2] =	sbarrier.arrive $0xFFFF  }
0x44: {  	[sflag:s0] =	ssyncadd.tile.s32 @!p0 $0x1;
	_ =	shalt  }
.Lfunc_end2:
_tile_overlayer_lowered:
.L_overlay_start_2:
0x45: {  	(tag) =	ssettag $0x2  }
0x46: {  	s0 =	rddreg [dreg:$0x0];
	s2 =	stileid.u32  }
0x47: {  	s1 =	rddreg [dreg:$0x1];
	p0 =	sne.s32 s2, $0x0  }
0x48: {  	s3 =	rddreg [dreg:$0x2];
	[bflag:$0x3] =	sbarrier.arrive $0xFFFF;
	s2 =	simm.s32 @!p0 $0x1C02  }
0x49: {  	[timem:s3], [sflag:s2] =	dma.local @!p0 [hbm:s0], s1  }
0x4a: {  	s0 =	simm.s32 @!p0 $0x2  }
0x4b: {  	_ =	swait.ge @!p0 [sflag:s0], s1  }
0x4c: {  	s1 =	ssub.s32 @!p0 $0x0, s1;
	[sflag:s0] =	ssyncset.done @!p0 $0x0  }
0x4d: {  	[sflag:s0] =	ssyncadd.s32 @!p0 s1  }
0x4e: {  	[bflag:$0x3] =	sbarrier.arrive $0xFFFF  }
0x4f: {  	_ =	shalt  }

</sc_bundles>
